<compile_context>
chip_gen: v7x
topology: tpu7x:2x2x1
jax: 0.10.2.dev20260603
libtpu: 0.0.44.dev20260713+nightly
codegen_flags: <defaults>
</compile_context>

<pallas_src>
import jax
import jax.numpy as jnp
from jax.experimental import pallas as pl
from jax.experimental.pallas import tpu as pltpu
from jax.experimental.pallas import tpu_sc as plsc

N = 2048
HID = 1024
CODE = 256
CONF = 64
E = 8
BLK = 256
NBLK = N // BLK
BS = 256
NBMAX = 2 * N // BS + E
SROWS = NBMAX * BS
W = 64
HPK = HID // 2

_f32 = jnp.float32
_bf16 = jnp.bfloat16


def _dot(a, b):
    return jax.lax.dot_general(a, b, (((1,), (0,)), ((), ())),
                               preferred_element_type=_f32)


def _dot_t(a, b):
    return jax.lax.dot_general(a, b, (((1,), (1,)), ((), ())),
                               preferred_element_type=_f32)


def _pack(x):
    lo = jax.lax.bitcast_convert_type(x[:, :HPK].astype(_bf16), jnp.uint16)
    hi = jax.lax.bitcast_convert_type(x[:, HPK:].astype(_bf16), jnp.uint16)
    packed = lo.astype(jnp.uint32) | (hi.astype(jnp.uint32) << 16)
    return jax.lax.bitcast_convert_type(packed, jnp.int32)


def _unpack(p):
    u = jax.lax.bitcast_convert_type(p, jnp.uint32)
    lo = jax.lax.bitcast_convert_type(u << 16, _f32)
    hi = jax.lax.bitcast_convert_type(u & jnp.uint32(0xFFFF0000), _f32)
    return jnp.concatenate([lo, hi], axis=1)


def _router_body(code_ref, rtW_ref, rt_b_ref,
                 pT_ref, g1_ref, g2_ref, be_ref, used_ref, aux_ref):
    logits = _dot_t(code_ref[...], rtW_ref[...]) + rt_b_ref[...]
    mx = jnp.max(logits, axis=1, keepdims=True)
    exl = jnp.exp(logits - mx)
    probs = exl / jnp.sum(exl, axis=1, keepdims=True)
    lane = jax.lax.broadcasted_iota(jnp.int32, (N, E), 1)
    m1 = jnp.max(probs, axis=1, keepdims=True)
    e1 = jnp.min(jnp.where(probs >= m1, lane, E), axis=1, keepdims=True)
    oh1 = lane == e1
    pn1 = jnp.where(oh1, -1.0, probs)
    m2 = jnp.max(pn1, axis=1, keepdims=True)
    e2 = jnp.min(jnp.where(pn1 >= m2, lane, E), axis=1, keepdims=True)
    oh2 = lane == e2
    maskD = (probs >= m2).astype(_f32)

    den = m1 + m2 + 1e-9
    g1_ref[...] = m1 / den
    g2_ref[...] = m2 / den

    cnt = oh1.astype(_f32) + oh2.astype(_f32)
    inc = cnt
    k = 1
    while k < N:
        inc = inc + jnp.concatenate(
            [jnp.zeros((k, E), _f32), inc[:-k, :]], axis=0)
        k *= 2
    ecs = inc - cnt
    totals = inc[N - 1:N, :]
    pblk = jnp.ceil(totals * (1.0 / BS))
    incb = pblk
    k = 1
    while k < E:
        incb = incb + jnp.concatenate(
            [jnp.zeros((1, k), _f32), incb[:, :-k]], axis=1)
        k *= 2
    base_rows = (incb - pblk) * BS

    rank1 = jnp.sum(jnp.where(oh1, ecs, 0.0), axis=1, keepdims=True)
    rank2 = jnp.sum(jnp.where(oh2, ecs, 0.0), axis=1, keepdims=True)
    b1 = jnp.sum(jnp.where(oh1, base_rows, 0.0), axis=1, keepdims=True)
    b2 = jnp.sum(jnp.where(oh2, base_rows, 0.0), axis=1, keepdims=True)
    p12 = jnp.concatenate([b1 + rank1, b2 + rank2], axis=1)
    pT_ref[...] = jnp.transpose(p12, (1, 0)).astype(jnp.int32)

    bi = jax.lax.broadcasted_iota(jnp.int32, (1, NBMAX), 1).astype(_f32)
    be = jnp.zeros((1, NBMAX), _f32)
    for e in range(E):
        be += (bi >= incb[0:1, e:e + 1]).astype(_f32)
    be_ref[...] = jnp.minimum(be, E - 1).astype(jnp.int32)
    used_ref[...] = incb[0:1, E - 1:E].astype(jnp.int32)

    pm = jnp.sum(probs, axis=0, keepdims=True)
    mm = jnp.sum(maskD, axis=0, keepdims=True)
    aux_ref[...] = (E / (N * N)) * jnp.sum(pm * mm, axis=(0, 1), keepdims=True)


def _dense_body(code_ref, u_ref, h_ref,
                scW1_ref, scW2_ref, shW1_ref, shW2_ref, pj_ref,
                sc_b1_ref, sc_b2_ref, sh_b1_ref, sh_b2_ref, pj_b_ref,
                hm_ref):
    code = code_ref[...]
    u = u_ref[...]
    t = (_dot_t(code, scW1_ref[:, :CODE]) + _dot_t(u, scW1_ref[:, CODE:])
         + sc_b1_ref[...])
    t = t * jax.nn.sigmoid(t)
    scale = jax.nn.sigmoid(_dot_t(t.astype(_bf16), scW2_ref[...]) + sc_b2_ref[...])
    s = (_dot_t(code, shW1_ref[:, :CODE]) + _dot_t(u, shW1_ref[:, CODE:])
         + sh_b1_ref[...])
    s = s * jax.nn.sigmoid(s)
    shift = _dot_t(s.astype(_bf16), shW2_ref[...]) + sh_b2_ref[...]
    ht = jnp.maximum(_dot_t(h_ref[...], pj_ref[...]) + pj_b_ref[...], 0.0)
    hm_ref[...] = _pack(scale * ht + shift)


def _conf_body(u_ref, fcW1_ref, fcW2_ref, fc_b1_ref, fc_b2_ref, cmask_ref,
               ce_ref):
    ce = _dot_t(jnp.maximum(_dot_t(u_ref[...], fcW1_ref[...]) + fc_b1_ref[...],
                            0.0).astype(_bf16), fcW2_ref[...]) + fc_b2_ref[...]
    ce_ref[...] = ce * (cmask_ref[...] > 0.0).astype(_f32)


def _expert_body(be_ref, used_ref, x_ref, w_ref, b_ref, o_ref):
    i = pl.program_id(0)

    @pl.when(i < used_ref[0, 0])
    def _():
        xb = _unpack(x_ref[...]).astype(_bf16)
        o_ref[...] = _pack(jnp.maximum(
            jax.lax.dot_general(xb, w_ref[0].astype(_bf16),
                                (((1,), (1,)), ((), ())),
                                preferred_element_type=_f32) + b_ref[0], 0.0))


def _combine_body(ga_ref, gb_ref, g1_ref, g2_ref, ce_ref, cmask_ref,
                  out_ref):
    moe = (g1_ref[...] * _unpack(ga_ref[...])
           + g2_ref[...] * _unpack(gb_ref[...]))
    out_ref[...] = (moe * (1.0 - jax.nn.sigmoid(cmask_ref[...]))
                    + ce_ref[...])


def _sc_scatter(hm, pall):
    mesh = plsc.VectorSubcoreMesh(core_axis_name="c", subcore_axis_name="s")

    @pl.kernel(out_type=jax.ShapeDtypeStruct((SROWS, HPK), jnp.int32), mesh=mesh)
    def k(hm_hbm, i_hbm, o_hbm):
        def body(x_vmem, i_vmem):
            pltpu.sync_copy(x_vmem, o_hbm.at[i_vmem])

        pltpu.emit_pipeline(
            body,
            grid=(2 * N // W,),
            in_specs=[pl.BlockSpec((W, HPK), lambda i: (i % (N // W), 0)),
                      pl.BlockSpec((W,), lambda i: (i,))],
            out_specs=[],
            core_axis_name=("c", "s"),
            dimension_semantics=(pltpu.PARALLEL,),
        )(hm_hbm, i_hbm)

    return k(hm, pall)


def _sc_gather(res, pall):
    mesh = plsc.VectorSubcoreMesh(core_axis_name="c", subcore_axis_name="s")

    @pl.kernel(out_type=jax.ShapeDtypeStruct((2 * N, HPK), jnp.int32), mesh=mesh)
    def k(res_hbm, i_hbm, o_hbm):
        def body(i_vmem, o_vmem):
            pltpu.sync_copy(res_hbm.at[i_vmem], o_vmem)

        pltpu.emit_pipeline(
            body,
            grid=(2 * N // W,),
            in_specs=[pl.BlockSpec((W,), lambda i: (i,))],
            out_specs=[pl.BlockSpec((W, HPK), lambda i: (i, 0))],
            core_axis_name=("c", "s"),
            dimension_semantics=(pltpu.PARALLEL,),
        )(i_hbm, o_hbm)

    return k(res, pall)


def kernel(h, code_emb, u, conf_mask, fc_W1, fc_b1, fc_W2, fc_b2,
           sc_W1, sc_b1, sc_W2, sc_b2, sh_W1, sh_b1, sh_W2, sh_b2,
           pj_W, pj_b, rt_W, rt_b, ex_W, ex_b):
    bf = _bf16
    row = lambda v: v.reshape(1, -1).astype(_f32)
    codeb = code_emb.astype(bf)
    ub = u.astype(bf)
    hb = h.astype(bf)

    blk = lambda shape, im: pl.BlockSpec(shape, im)
    tok = lambda d: blk((BLK, d), lambda i: (i, 0))
    cst = lambda shape: blk(shape, lambda i: tuple(0 for _ in shape))

    pT, g1, g2, be, used, aux = pl.pallas_call(
        _router_body,
        out_shape=[jax.ShapeDtypeStruct((2, N), jnp.int32),
                   jax.ShapeDtypeStruct((N, 1), _f32),
                   jax.ShapeDtypeStruct((N, 1), _f32),
                   jax.ShapeDtypeStruct((1, NBMAX), jnp.int32),
                   jax.ShapeDtypeStruct((1, 1), jnp.int32),
                   jax.ShapeDtypeStruct((1, 1), _f32)],
    )(codeb, rt_W.astype(bf), row(rt_b))

    hm = pl.pallas_call(
        _dense_body,
        grid=(NBLK,),
        in_specs=[tok(CODE), tok(CONF), tok(HID),
                  cst((HID, CODE + CONF)), cst((HID, HID)),
                  cst((HID, CODE + CONF)), cst((HID, HID)),
                  cst((HID, HID)),
                  cst((1, HID)), cst((1, HID)), cst((1, HID)), cst((1, HID)),
                  cst((1, HID))],
        out_specs=tok(HPK),
        out_shape=jax.ShapeDtypeStruct((N, HPK), jnp.int32),
    )(codeb, ub, hb,
      sc_W1.astype(bf), sc_W2.astype(bf),
      sh_W1.astype(bf), sh_W2.astype(bf), pj_W.astype(bf),
      row(sc_b1), row(sc_b2), row(sh_b1), row(sh_b2), row(pj_b))

    pall = pT.reshape(2 * N)
    hs = _sc_scatter(hm, pall)

    ce = pl.pallas_call(
        _conf_body,
        grid=(NBLK,),
        in_specs=[tok(CONF), cst((HID, CONF)), cst((HID, HID)),
                  cst((1, HID)), cst((1, HID)), cst((1, HID))],
        out_specs=tok(HID),
        out_shape=jax.ShapeDtypeStruct((N, HID), _f32),
    )(ub, fc_W1.astype(bf), fc_W2.astype(bf),
      row(fc_b1), row(fc_b2), row(conf_mask))

    res = pl.pallas_call(
        _expert_body,
        grid_spec=pltpu.PrefetchScalarGridSpec(
            num_scalar_prefetch=2,
            grid=(NBMAX,),
            in_specs=[
                pl.BlockSpec((BS, HPK),
                             lambda i, be, us: (jnp.minimum(i, us[0, 0] - 1), 0)),
                pl.BlockSpec((1, HID, HID),
                             lambda i, be, us: (be[0, jnp.minimum(i, us[0, 0] - 1)], 0, 0)),
                pl.BlockSpec((1, 1, HID),
                             lambda i, be, us: (be[0, jnp.minimum(i, us[0, 0] - 1)], 0, 0)),
            ],
            out_specs=pl.BlockSpec(
                (BS, HPK), lambda i, be, us: (jnp.minimum(i, us[0, 0] - 1), 0)),
        ),
        out_shape=jax.ShapeDtypeStruct((SROWS, HPK), jnp.int32),
    )(be, used, hs, ex_W, ex_b.reshape(E, 1, HID).astype(_f32))

    g = _sc_gather(res, pall)

    out = pl.pallas_call(
        _combine_body,
        grid=(NBLK,),
        in_specs=[blk((BLK, HPK), lambda i: (i, 0)),
                  blk((BLK, HPK), lambda i: (i + NBLK, 0)),
                  blk((BLK, 1), lambda i: (i, 0)),
                  blk((BLK, 1), lambda i: (i, 0)),
                  tok(HID), cst((1, HID))],
        out_specs=tok(HID),
        out_shape=jax.ShapeDtypeStruct((N, HID), _f32),
    )(g, g, g1, g2, ce, row(conf_mask))

    return out, aux.reshape(())

# --- scband reference (transcript-rebuilt; emitter-appended) ---
"""Pipeline reference for scband-mo-etransition-head-38122129719395 (READ-ONLY COPY).

The authoritative reference and input builder live on the scoring server;
editing this copy changes nothing except your own understanding.
"""

import jax, jax.numpy as jnp
import numpy as np

N = 2048
HID = 1024
CODE = 256
CONF = 64
E = 8
TOPK = 2


def setup_inputs(seed: int = 0) -> dict:
    key = jax.random.key(seed)
    ks = jax.random.split(key, 24)
    f32 = jnp.float32
    def nrm(k, shape, s=0.02):
        return jax.random.normal(k, shape, dtype=f32) * s
    inp = {
        'h': jax.random.normal(ks[0], (N, HID), dtype=f32),
        'code_emb': jax.random.normal(ks[1], (N, CODE), dtype=f32),
        'u': jax.random.normal(ks[2], (N, CONF), dtype=f32),
        # conf_mask ~ bernoulli(p=0.05)
        'conf_mask': (jax.random.uniform(ks[3], (HID,)) < 0.05).astype(f32),
        # f_conf: Linear(conf->hid), ReLU, Linear(hid->hid)
        'fc_W1': nrm(ks[4], (HID, CONF)), 'fc_b1': jnp.zeros((HID,), f32),
        'fc_W2': nrm(ks[5], (HID, HID)), 'fc_b2': jnp.zeros((HID,), f32),
        # scale_mlp: Linear(code+conf->hid), SiLU, Linear(hid->hid), Sigmoid
        'sc_W1': nrm(ks[6], (HID, CODE + CONF)), 'sc_b1': jnp.zeros((HID,), f32),
        'sc_W2': nrm(ks[7], (HID, HID)), 'sc_b2': jnp.zeros((HID,), f32),
        # shift_mlp: Linear(code+conf->hid), SiLU, Linear(hid->hid)
        'sh_W1': nrm(ks[8], (HID, CODE + CONF)), 'sh_b1': jnp.zeros((HID,), f32),
        'sh_W2': nrm(ks[9], (HID, HID)), 'sh_b2': jnp.zeros((HID,), f32),
        # proj_w: Linear(hid->hid), ReLU
        'pj_W': nrm(ks[10], (HID, HID)), 'pj_b': nrm(ks[11], (HID,), 1e-6),
        # SparseCodebookMoE: router over code_emb -> E experts, top-2, expert = Linear(hid->hid)+ReLU
        'rt_W': nrm(ks[12], (E, CODE)), 'rt_b': jnp.zeros((E,), f32),
        'ex_W': nrm(ks[13], (E, HID, HID)), 'ex_b': jnp.zeros((E, HID), f32),
    }
    return inp


def reference(h, code_emb, u, conf_mask,
              fc_W1, fc_b1, fc_W2, fc_b2,
              sc_W1, sc_b1, sc_W2, sc_b2,
              sh_W1, sh_b1, sh_W2, sh_b2,
              pj_W, pj_b, rt_W, rt_b, ex_W, ex_b):
    f32 = jnp.float32
    silu = lambda x: x * jax.nn.sigmoid(x)
    # modulation input is detached in the torch code
    mod = jax.lax.stop_gradient(jnp.concatenate([code_emb, u], axis=-1))
    scale = jax.nn.sigmoid(silu(mod @ sc_W1.T + sc_b1) @ sc_W2.T + sc_b2)
    shift = silu(mod @ sh_W1.T + sh_b1) @ sh_W2.T + sh_b2
    h_t = jax.nn.relu(h @ pj_W.T + pj_b)
    h_m = scale * h_t + shift
    # MoE: router on code_emb, top-2 gating, dense-evaluated experts
    logits = code_emb @ rt_W.T + rt_b
    probs = jax.nn.softmax(logits, axis=-1)
    topv, _ = jax.lax.top_k(probs, TOPK)
    mask = (probs >= topv[:, TOPK - 1:TOPK]).astype(f32)
    gates = probs * mask
    gates = gates / (jnp.sum(gates, axis=-1, keepdims=True) + 1e-9)
    ex = jax.nn.relu(jnp.einsum('nh,edh->ned', h_m, ex_W) + ex_b[None, :, :])
    moe_out = jnp.einsum('ne,ned->nd', gates, ex)
    aux_loss = E * jnp.sum(jnp.mean(probs, axis=0) * jnp.mean(mask, axis=0))
    # confidence branch with hard mask; the detach-trick in torch is a value/grad identity
    conf_effect = (jax.nn.relu(u @ fc_W1.T + fc_b1) @ fc_W2.T + fc_b2) * (conf_mask > 0).astype(f32)
    output = moe_out * (1.0 - jax.nn.sigmoid(conf_mask)) + conf_effect
    return output, aux_loss

if __name__ == "__main__":
    import jax
    _d = setup_inputs()
    print(jax.jit(kernel)(*tuple(_d.values())))

</pallas_src>

<mosaic_0001>
#map = affine_map<(d0, d1) -> (0, 0)>
#map1 = affine_map<(d0, d1) -> (0)>
module attributes {stable_mosaic.version = 14 : i64} {
  func.func @k(%arg0: i32, %arg1: i32, %arg2: memref<6144x512xi32, #tpu.memory_space<hbm>>, %arg3: memref<4096xi32, #tpu.memory_space<hbm>>, %arg4: memref<4096x512xi32, #tpu.memory_space<hbm>>) attributes {dimension_semantics = [#tpu.dimension_semantics<core_parallel>, #tpu.dimension_semantics<subcore_parallel>], iteration_bounds = array<i64: 2, 16>, scalar_prefetch = 0 : i64, scratch_operands = 0 : i64, tpu.core_type = #tpu.core_type<sc_vector_subcore>, window_params = [{transform_indices = #map}, {transform_indices = #map1}, {transform_indices = #map}]} {
    %mul3A = arith.constant 1 : i32
    %mul3A_0 = arith.muli %arg1, %mul3A : i32
    %add3A = arith.constant 0 : i32
    %add3A_1 = arith.addi %add3A, %mul3A_0 : i32
    %mul3A_2 = arith.constant 16 : i32
    %mul3A_3 = arith.muli %arg0, %mul3A_2 : i32
    %add3A_4 = arith.addi %add3A_1, %mul3A_3 : i32
    %mul3A_5 = arith.constant 2 : i32
    %mul3A_6 = arith.muli %add3A_4, %mul3A_5 : i32
    "tpu.region"() ({
      %run_scoped3A = memref.alloca() : memref<128xi32, #tpu.memory_space<vmem>>
      %run_scoped3A_7 = tpu.sem_alloc : memref<2x!tpu.dma_semaphore, #tpu.memory_space<semaphore_mem>>
      %run_scoped3A_8 = memref.alloca() : memref<2x64x512xi32, #tpu.memory_space<vmem>>
      %run_scoped3A_9 = tpu.sem_alloc : memref<2x!tpu.dma_semaphore, #tpu.memory_space<semaphore_mem>>
      %add3A_10 = arith.constant 0 : i32
      %add3A_11 = arith.addi %add3A_10, %mul3A_6 : i32
      %select_n3A = arith.constant true
      %select_n3A_12 = arith.constant 0 : i32
      %select_n3A_13 = arith.constant -1 : i32
      %select_n3A_14 = arith.select %select_n3A, %select_n3A_13, %select_n3A_12 : i32
      %eq3A = arith.constant -1 : i32
      %eq3A_15 = arith.cmpi eq, %select_n3A_14, %eq3A : i32
      %select_n3A_16 = arith.constant 1 : i32
      %select_n3A_17 = arith.select %eq3A_15, %select_n3A_16, %select_n3A_14 : i32
      %add3A_18 = arith.addi %select_n3A_17, %mul3A_6 : i32
      %select_n3A_19 = arith.constant true
      %select_n3A_20 = arith.constant 0 : i32
      %select_n3A_21 = arith.constant 1 : i32
      %select_n3A_22 = arith.select %select_n3A_19, %select_n3A_21, %select_n3A_20 : i32
      %eq3A_23 = arith.constant 2 : i32
      %eq3A_24 = arith.cmpi eq, %select_n3A_22, %eq3A_23 : i32
      %select_n3A_25 = arith.constant 0 : i32
      %select_n3A_26 = arith.select %eq3A_24, %select_n3A_25, %select_n3A_22 : i32
      %add3A_27 = arith.addi %select_n3A_26, %mul3A_6 : i32
      %add3A_28 = arith.constant 1 : i32
      %add3A_29 = arith.addi %select_n3A_26, %add3A_28 : i32
      %select_n3A_30 = arith.constant true
      %select_n3A_31 = arith.select %select_n3A_30, %add3A_29, %select_n3A_26 : i32
      %eq3A_32 = arith.constant 2 : i32
      %eq3A_33 = arith.cmpi eq, %select_n3A_31, %eq3A_32 : i32
      %select_n3A_34 = arith.constant 0 : i32
      %select_n3A_35 = arith.select %eq3A_33, %select_n3A_34, %select_n3A_31 : i32
      %add3A_36 = arith.addi %select_n3A_35, %mul3A_6 : i32
      "tpu.trace_start"() <{level = 10 : i32, message = "ep_initialize_0"}> : () -> ()
      %rem3A = arith.constant 0 : i32
      %rem3A_37 = arith.constant 2 : i32
      %rem3A_38 = arith.remui %rem3A, %rem3A_37 : i32
      %mul3A_39 = arith.constant 64 : i32
      %mul3A_40 = arith.muli %mul3A_39, %add3A_11 : i32
      %mul3A_41 = arith.constant 64 : i32
      %mul3A_42 = arith.muli %rem3A_38, %mul3A_41 : i32
      %add3A_43 = arith.constant 0 : i32
      %add3A_44 = arith.addi %mul3A_42, %add3A_43 : i32
      %dma_start3A = tpu.memref_slice %run_scoped3A[%add3A_44] : memref<128xi32, #tpu.memory_space<vmem>> -> memref<64xi32, #tpu.memory_space<vmem>>
      %dma_start3A_45 = tpu.memref_slice %arg3[%mul3A_40] : memref<4096xi32, #tpu.memory_space<hbm>> -> memref<64xi32, #tpu.memory_space<hbm>>
      %dma_start3A_46 = tpu.memref_slice %run_scoped3A_7[%rem3A_38] : memref<2x!tpu.dma_semaphore, #tpu.memory_space<semaphore_mem>> -> memref<1x!tpu.dma_semaphore, #tpu.memory_space<semaphore_mem>>
      %dma_start3A_47 = tpu.memref_squeeze %dma_start3A_46 : memref<1x!tpu.dma_semaphore, #tpu.memory_space<semaphore_mem>> -> memref<!tpu.dma_semaphore, #tpu.memory_space<semaphore_mem>>
      %dma_start3A_48 = tpu.memref_slice %run_scoped3A[%add3A_44] : memref<128xi32, #tpu.memory_space<vmem>> -> memref<64xi32, #tpu.memory_space<vmem>>
      %dma_start3A_49 = tpu.memref_slice %arg3[%mul3A_40] : memref<4096xi32, #tpu.memory_space<hbm>> -> memref<64xi32, #tpu.memory_space<hbm>>
      tpu.enqueue_dma source(%dma_start3A_49 : memref<64xi32, #tpu.memory_space<hbm>>) target(%dma_start3A_48 : memref<64xi32, #tpu.memory_space<vmem>>) target_semaphore(%dma_start3A_47 : memref<!tpu.dma_semaphore, #tpu.memory_space<semaphore_mem>>)
      %add3A_50 = arith.constant 0 : i32
      %add3A_51 = arith.constant 1 : i32
      %add3A_52 = arith.addi %add3A_50, %add3A_51 : i32
      %select_n3A_53 = arith.constant true
      %select_n3A_54 = arith.constant 0 : i32
      %select_n3A_55 = arith.select %select_n3A_53, %add3A_52, %select_n3A_54 : i32
      "tpu.trace_stop"() : () -> ()
      %scan3A = arith.constant 0 : i32
      %scan3A_56 = arith.constant 0 : i32
      %scan3A_57 = arith.constant 0 : i32
      %scan3A_58 = arith.constant 0 : i32
      %scan3A_59 = arith.constant 0 : i32
      %scan3A_60 = arith.constant 2 : i32
      %scan3A_61 = arith.addi %scan3A_59, %scan3A_60 : i32
      %scan3A_62 = arith.constant 1 : i32
      %scan3A_63:5 = scf.for %scan3A_117 = %scan3A_59 to %scan3A_61 step %scan3A_62 iter_args(%scan3A_118 = %select_n3A_55, %scan3A_119 = %scan3A, %scan3A_120 = %scan3A_56, %scan3A_121 = %scan3A_57, %scan3A_122 = %scan3A_58) -> (i32, i32, i32, i32, i32)  : i32 {
        %eq3A_123 = arith.constant 0 : i32
        %eq3A_124 = arith.cmpi eq, %scan3A_117, %eq3A_123 : i32
        %eq3A_125 = arith.constant 1 : i32
        %eq3A_126 = arith.cmpi eq, %scan3A_117, %eq3A_125 : i32
        %add3A_127 = arith.addi %scan3A_122, %mul3A_6 : i32
        %sub3A_128 = arith.constant 1 : i32
        %sub3A_129 = arith.subi %scan3A_122, %sub3A_128 : i32
        %select_n3A_130 = arith.constant true
        %select_n3A_131 = arith.select %select_n3A_130, %sub3A_129, %scan3A_122 : i32
        %eq3A_132 = arith.constant -1 : i32
        %eq3A_133 = arith.cmpi eq, %select_n3A_131, %eq3A_132 : i32
        %select_n3A_134 = arith.constant 1 : i32
        %select_n3A_135 = arith.select %eq3A_133, %select_n3A_134, %select_n3A_131 : i32
        %add3A_136 = arith.addi %select_n3A_135, %mul3A_6 : i32
        %add3A_137 = arith.constant 1 : i32
        %add3A_138 = arith.addi %scan3A_122, %add3A_137 : i32
        %select_n3A_139 = arith.constant true
        %select_n3A_140 = arith.select %select_n3A_139, %add3A_138, %scan3A_122 : i32
        %eq3A_141 = arith.constant 2 : i32
        %eq3A_142 = arith.cmpi eq, %select_n3A_140, %eq3A_141 : i32
        %select_n3A_143 = arith.constant 0 : i32
        %select_n3A_144 = arith.select %eq3A_142, %select_n3A_143, %select_n3A_140 : i32
        %add3A_145 = arith.addi %select_n3A_144, %mul3A_6 : i32
        %add3A_146 = arith.constant 1 : i32
        %add3A_147 = arith.addi %select_n3A_144, %add3A_146 : i32
        %select_n3A_148 = arith.constant true
        %select_n3A_149 = arith.select %select_n3A_148, %add3A_147, %select_n3A_144 : i32
        %eq3A_150 = arith.constant 2 : i32
        %eq3A_151 = arith.cmpi eq, %select_n3A_149, %eq3A_150 : i32
        %select_n3A_152 = arith.constant 0 : i32
        %select_n3A_153 = arith.select %eq3A_151, %select_n3A_152, %select_n3A_149 : i32
        %add3A_154 = arith.addi %select_n3A_153, %mul3A_6 : i32
        %ne3A = arith.cmpi ne, %add3A_127, %add3A_145 : i32
        %or3A = arith.constant false
        %or3A_155 = arith.ori %or3A, %ne3A : i1
        %ge3A = arith.constant 1 : i32
        %ge3A_156 = arith.cmpi sge, %scan3A_117, %ge3A : i32
        %not3A = arith.constant true
        %not3A_157 = arith.xori %ge3A_156, %not3A : i1
        %and3A = arith.andi %or3A_155, %not3A_157 : i1
        %convert_element_type3A = arith.extui %and3A : i1 to i32
        %cond3A = arith.constant 0 : i32
        %cond3A_158 = arith.cmpi ne, %convert_element_type3A, %cond3A : i32
        scf.if %cond3A_158 {
          "tpu.trace_start"() <{level = 10 : i32, message = "ep_copy_in"}> : () -> ()
          %rem3A_261 = arith.constant 2 : i32
          %rem3A_262 = arith.remui %scan3A_118, %rem3A_261 : i32
          %mul3A_263 = arith.constant 64 : i32
          %mul3A_264 = arith.muli %mul3A_263, %add3A_145 : i32
          %mul3A_265 = arith.constant 64 : i32
          %mul3A_266 = arith.muli %rem3A_262, %mul3A_265 : i32
          %add3A_267 = arith.constant 0 : i32
          %add3A_268 = arith.addi %mul3A_266, %add3A_267 : i32
          %dma_start3A_269 = tpu.memref_slice %run_scoped3A[%add3A_268] : memref<128xi32, #tpu.memory_space<vmem>> -> memref<64xi32, #tpu.memory_space<vmem>>
          %dma_start3A_270 = tpu.memref_slice %arg3[%mul3A_264] : memref<4096xi32, #tpu.memory_space<hbm>> -> memref<64xi32, #tpu.memory_space<hbm>>
          %dma_start3A_271 = tpu.memref_slice %run_scoped3A_7[%rem3A_262] : memref<2x!tpu.dma_semaphore, #tpu.memory_space<semaphore_mem>> -> memref<1x!tpu.dma_semaphore, #tpu.memory_space<semaphore_mem>>
          %dma_start3A_272 = tpu.memref_squeeze %dma_start3A_271 : memref<1x!tpu.dma_semaphore, #tpu.memory_space<semaphore_mem>> -> memref<!tpu.dma_semaphore, #tpu.memory_space<semaphore_mem>>
          %dma_start3A_273 = tpu.memref_slice %run_scoped3A[%add3A_268] : memref<128xi32, #tpu.memory_space<vmem>> -> memref<64xi32, #tpu.memory_space<vmem>>
          %dma_start3A_274 = tpu.memref_slice %arg3[%mul3A_264] : memref<4096xi32, #tpu.memory_space<hbm>> -> memref<64xi32, #tpu.memory_space<hbm>>
          tpu.enqueue_dma source(%dma_start3A_274 : memref<64xi32, #tpu.memory_space<hbm>>) target(%dma_start3A_273 : memref<64xi32, #tpu.memory_space<vmem>>) target_semaphore(%dma_start3A_272 : memref<!tpu.dma_semaphore, #tpu.memory_space<semaphore_mem>>)
          "tpu.trace_stop"() : () -> ()
        } else {
        }
        %and3A_159 = arith.constant true
        %and3A_160 = arith.andi %and3A, %and3A_159 : i1
        %add3A_161 = arith.constant 1 : i32
        %add3A_162 = arith.addi %scan3A_118, %add3A_161 : i32
        %select_n3A_163 = arith.select %and3A_160, %add3A_162, %scan3A_118 : i32
        %ne3A_164 = arith.cmpi ne, %add3A_127, %add3A_145 : i32
        %or3A_165 = arith.constant false
        %or3A_166 = arith.ori %or3A_165, %ne3A_164 : i1
        %or3A_167 = arith.constant false
        %or3A_168 = arith.ori %or3A_166, %or3A_167 : i1
        %ge3A_169 = arith.constant 1 : i32
        %ge3A_170 = arith.cmpi sge, %scan3A_117, %ge3A_169 : i32
        %not3A_171 = arith.constant true
        %not3A_172 = arith.xori %ge3A_170, %not3A_171 : i1
        %and3A_173 = arith.andi %or3A_168, %not3A_172 : i1
        %ne3A_174 = arith.cmpi ne, %add3A_127, %add3A_136 : i32
        %or3A_175 = arith.constant false
        %or3A_176 = arith.ori %or3A_175, %ne3A_174 : i1
        %or3A_177 = arith.ori %or3A_176, %eq3A_124 : i1
        %convert_element_type3A_178 = arith.extui %or3A_177 : i1 to i32
        %cond3A_179 = arith.constant 0 : i32
        %cond3A_180 = arith.cmpi ne, %convert_element_type3A_178, %cond3A_179 : i32
        scf.if %cond3A_180 {
          "tpu.trace_start"() <{level = 10 : i32, message = "ep_wait_in"}> : () -> ()
          %mul3A_261 = arith.constant 64 : i32
          %mul3A_262 = arith.muli %mul3A_261, %add3A_127 : i32
          %rem3A_263 = arith.constant 2 : i32
          %rem3A_264 = arith.remui %scan3A_119, %rem3A_263 : i32
          %mul3A_265 = arith.constant 64 : i32
          %mul3A_266 = arith.muli %rem3A_264, %mul3A_265 : i32
          %add3A_267 = arith.constant 0 : i32
          %add3A_268 = arith.addi %mul3A_266, %add3A_267 : i32
          %dma_wait3A_269 = tpu.memref_slice %run_scoped3A[%add3A_268] : memref<128xi32, #tpu.memory_space<vmem>> -> memref<64xi32, #tpu.memory_space<vmem>>
          %dma_wait3A_270 = tpu.memref_slice %arg3[%mul3A_262] : memref<4096xi32, #tpu.memory_space<hbm>> -> memref<64xi32, #tpu.memory_space<hbm>>
          %dma_wait3A_271 = tpu.memref_slice %run_scoped3A_7[%rem3A_264] : memref<2x!tpu.dma_semaphore, #tpu.memory_space<semaphore_mem>> -> memref<1x!tpu.dma_semaphore, #tpu.memory_space<semaphore_mem>>
          %dma_wait3A_272 = tpu.memref_squeeze %dma_wait3A_271 : memref<1x!tpu.dma_semaphore, #tpu.memory_space<semaphore_mem>> -> memref<!tpu.dma_semaphore, #tpu.memory_space<semaphore_mem>>
          %dma_wait3A_273 = tpu.memref_slice %run_scoped3A[%add3A_268] : memref<128xi32, #tpu.memory_space<vmem>> -> memref<64xi32, #tpu.memory_space<vmem>>
          %dma_wait3A_274 = tpu.memref_slice %arg3[%mul3A_262] : memref<4096xi32, #tpu.memory_space<hbm>> -> memref<64xi32, #tpu.memory_space<hbm>>
          tpu.wait_dma2 semaphore(%dma_wait3A_272 : memref<!tpu.dma_semaphore, #tpu.memory_space<semaphore_mem>>) src(%dma_wait3A_274 : memref<64xi32, #tpu.memory_space<hbm>>) dst(%dma_wait3A_273 : memref<64xi32, #tpu.memory_space<vmem>>)
          "tpu.trace_stop"() : () -> ()
        } else {
        }
        %ne3A_181 = arith.cmpi ne, %add3A_127, %add3A_136 : i32
        %or3A_182 = arith.constant false
        %or3A_183 = arith.ori %or3A_182, %ne3A_181 : i1
        %or3A_184 = arith.constant false
        %or3A_185 = arith.ori %or3A_183, %or3A_184 : i1
        %or3A_186 = arith.ori %or3A_185, %eq3A_124 : i1
        %convert_element_type3A_187 = arith.extui %or3A_186 : i1 to i32
        %cond3A_188 = arith.constant 0 : i32
        %cond3A_189 = arith.cmpi ne, %convert_element_type3A_187, %cond3A_188 : i32
        scf.if %cond3A_189 {
        } else {
        }
        %rem3A_190 = arith.constant 2 : i32
        %rem3A_191 = arith.remui %scan3A_119, %rem3A_190 : i32
        %mul3A_192 = arith.constant 64 : i32
        %mul3A_193 = arith.muli %rem3A_191, %mul3A_192 : i32
        %rem3A_194 = arith.constant 2 : i32
        %rem3A_195 = arith.remui %scan3A_120, %rem3A_194 : i32
        "tpu.trace_start"() <{level = 10 : i32, message = "ep_run_kernel"}> : () -> ()
        "tpu.region"() ({
          %run_scoped3A_261 = tpu.sem_alloc : memref<!tpu.dma_semaphore, #tpu.memory_space<semaphore_mem>>
          %dma_start3A_262 = arith.constant 0 : i32
          %dma_start3A_263 = arith.constant 0 : i32
          %dma_start3A_264 = tpu.memref_slice %run_scoped3A_8[%rem3A_195, %dma_start3A_262, %dma_start3A_263] : memref<2x64x512xi32, #tpu.memory_space<vmem>> -> memref<1x64x512xi32, #tpu.memory_space<vmem>>
          %dma_start3A_265 = tpu.memref_squeeze %dma_start3A_264 : memref<1x64x512xi32, #tpu.memory_space<vmem>> -> memref<64x512xi32, #tpu.memory_space<vmem>>
          %dma_start3A_266 = tpu.memref_slice %run_scoped3A[%mul3A_193] : memref<128xi32, #tpu.memory_space<vmem>> -> memref<64xi32, #tpu.memory_space<vmem>>
          %dma_start3A_267 = arith.constant 0 : i32
          %dma_start3A_268 = arith.constant 0 : i32
          %dma_start3A_269 = tpu.memref_slice %arg2[%dma_start3A_267, %dma_start3A_268] : memref<6144x512xi32, #tpu.memory_space<hbm>> -> memref<6144x512xi32, #tpu.memory_space<hbm>>
          tpu.enqueue_indirect_dma source(%dma_start3A_269 : memref<6144x512xi32, #tpu.memory_space<hbm>>) target(%dma_start3A_265 : memref<64x512xi32, #tpu.memory_space<vmem>>) offsets(%dma_start3A_266 : memref<64xi32, #tpu.memory_space<vmem>>) semaphore(%run_scoped3A_261 : memref<!tpu.dma_semaphore, #tpu.memory_space<semaphore_mem>>)
          %dma_wait3A_270 = arith.constant 0 : i32
          %dma_wait3A_271 = arith.constant 0 : i32
          %dma_wait3A_272 = tpu.memref_slice %run_scoped3A_8[%rem3A_195, %dma_wait3A_270, %dma_wait3A_271] : memref<2x64x512xi32, #tpu.memory_space<vmem>> -> memref<1x64x512xi32, #tpu.memory_space<vmem>>
          %dma_wait3A_273 = tpu.memref_squeeze %dma_wait3A_272 : memref<1x64x512xi32, #tpu.memory_space<vmem>> -> memref<64x512xi32, #tpu.memory_space<vmem>>
          %dma_wait3A_274 = tpu.memref_slice %run_scoped3A[%mul3A_193] : memref<128xi32, #tpu.memory_space<vmem>> -> memref<64xi32, #tpu.memory_space<vmem>>
          %dma_wait3A_275 = arith.constant 0 : i32
          %dma_wait3A_276 = arith.constant 0 : i32
          %dma_wait3A_277 = tpu.memref_slice %arg2[%dma_wait3A_275, %dma_wait3A_276] : memref<6144x512xi32, #tpu.memory_space<hbm>> -> memref<6144x512xi32, #tpu.memory_space<hbm>>
          tpu.wait_indirect_dma semaphore(%run_scoped3A_261 : memref<!tpu.dma_semaphore, #tpu.memory_space<semaphore_mem>>) src(%dma_wait3A_277 : memref<6144x512xi32, #tpu.memory_space<hbm>>) dst(%dma_wait3A_273 : memref<64x512xi32, #tpu.memory_space<vmem>>)
          tpu.yield
        }) : () -> ()
        "tpu.trace_stop"() : () -> ()
        %ne3A_196 = arith.cmpi ne, %add3A_127, %add3A_145 : i32
        %or3A_197 = arith.constant false
        %or3A_198 = arith.ori %or3A_197, %ne3A_196 : i1
        %or3A_199 = arith.ori %or3A_198, %eq3A_126 : i1
        %convert_element_type3A_200 = arith.extui %or3A_199 : i1 to i32
        %cond3A_201 = arith.constant 0 : i32
        %cond3A_202 = arith.cmpi ne, %convert_element_type3A_200, %cond3A_201 : i32
        scf.if %cond3A_202 {
        } else {
        }
        %and3A_203 = arith.constant false
        %and3A_204 = arith.andi %or3A_199, %and3A_203 : i1
        %ne3A_205 = arith.cmpi ne, %add3A_127, %add3A_145 : i32
        %or3A_206 = arith.constant false
        %or3A_207 = arith.ori %or3A_206, %ne3A_205 : i1
        %or3A_208 = arith.constant false
        %or3A_209 = arith.ori %or3A_207, %or3A_208 : i1
        %or3A_210 = arith.ori %or3A_209, %eq3A_126 : i1
        %convert_element_type3A_211 = arith.extui %or3A_210 : i1 to i32
        %cond3A_212 = arith.constant 0 : i32
        %cond3A_213 = arith.cmpi ne, %convert_element_type3A_211, %cond3A_212 : i32
        scf.if %cond3A_213 {
          "tpu.trace_start"() <{level = 10 : i32, message = "ep_copy_out"}> : () -> ()
          %rem3A_261 = arith.constant 2 : i32
          %rem3A_262 = arith.remui %scan3A_120, %rem3A_261 : i32
          %mul3A_263 = arith.constant 64 : i32
          %mul3A_264 = arith.muli %mul3A_263, %add3A_127 : i32
          %dma_start3A_265 = arith.constant 0 : i32
          %dma_start3A_266 = arith.constant 0 : i32
          %dma_start3A_267 = tpu.memref_slice %run_scoped3A_8[%rem3A_262, %dma_start3A_265, %dma_start3A_266] : memref<2x64x512xi32, #tpu.memory_space<vmem>> -> memref<1x64x512xi32, #tpu.memory_space<vmem>>
          %dma_start3A_268 = tpu.memref_squeeze %dma_start3A_267 : memref<1x64x512xi32, #tpu.memory_space<vmem>> -> memref<64x512xi32, #tpu.memory_space<vmem>>
          %dma_start3A_269 = arith.constant 0 : i32
          %dma_start3A_270 = tpu.memref_slice %arg4[%mul3A_264, %dma_start3A_269] : memref<4096x512xi32, #tpu.memory_space<hbm>> -> memref<64x512xi32, #tpu.memory_space<hbm>>
          %dma_start3A_271 = tpu.memref_slice %run_scoped3A_9[%rem3A_262] : memref<2x!tpu.dma_semaphore, #tpu.memory_space<semaphore_mem>> -> memref<1x!tpu.dma_semaphore, #tpu.memory_space<semaphore_mem>>
          %dma_start3A_272 = tpu.memref_squeeze %dma_start3A_271 : memref<1x!tpu.dma_semaphore, #tpu.memory_space<semaphore_mem>> -> memref<!tpu.dma_semaphore, #tpu.memory_space<semaphore_mem>>
          %dma_start3A_273 = arith.constant 0 : i32
          %dma_start3A_274 = tpu.memref_slice %arg4[%mul3A_264, %dma_start3A_273] : memref<4096x512xi32, #tpu.memory_space<hbm>> -> memref<64x512xi32, #tpu.memory_space<hbm>>
          %dma_start3A_275 = arith.constant 0 : i32
          %dma_start3A_276 = arith.constant 0 : i32
          %dma_start3A_277 = tpu.memref_slice %run_scoped3A_8[%rem3A_262, %dma_start3A_275, %dma_start3A_276] : memref<2x64x512xi32, #tpu.memory_space<vmem>> -> memref<1x64x512xi32, #tpu.memory_space<vmem>>
          %dma_start3A_278 = tpu.memref_squeeze %dma_start3A_277 : memref<1x64x512xi32, #tpu.memory_space<vmem>> -> memref<64x512xi32, #tpu.memory_space<vmem>>
          tpu.enqueue_dma source(%dma_start3A_278 : memref<64x512xi32, #tpu.memory_space<vmem>>) target(%dma_start3A_274 : memref<64x512xi32, #tpu.memory_space<hbm>>) target_semaphore(%dma_start3A_272 : memref<!tpu.dma_semaphore, #tpu.memory_space<semaphore_mem>>)
          "tpu.trace_stop"() : () -> ()
        } else {
        }
        %and3A_214 = arith.constant true
        %and3A_215 = arith.andi %or3A_210, %and3A_214 : i1
        %add3A_216 = arith.constant 1 : i32
        %add3A_217 = arith.addi %scan3A_120, %add3A_216 : i32
        %select_n3A_218 = arith.select %and3A_215, %add3A_217, %scan3A_120 : i32
        %ne3A_219 = arith.cmpi ne, %add3A_127, %add3A_136 : i32
        %or3A_220 = arith.constant false
        %or3A_221 = arith.ori %or3A_220, %ne3A_219 : i1
        %not3A_222 = arith.constant true
        %not3A_223 = arith.xori %eq3A_124, %not3A_222 : i1
        %and3A_224 = arith.andi %or3A_221, %not3A_223 : i1
        %convert_element_type3A_225 = arith.extui %and3A_224 : i1 to i32
        %cond3A_226 = arith.constant 0 : i32
        %cond3A_227 = arith.cmpi ne, %convert_element_type3A_225, %cond3A_226 : i32
        scf.if %cond3A_227 {
        } else {
        }
        %and3A_228 = arith.constant false
        %and3A_229 = arith.andi %and3A_224, %and3A_228 : i1
        %ne3A_230 = arith.cmpi ne, %add3A_127, %add3A_136 : i32
        %or3A_231 = arith.constant false
        %or3A_232 = arith.ori %or3A_231, %ne3A_230 : i1
        %or3A_233 = arith.constant false
        %or3A_234 = arith.ori %or3A_232, %or3A_233 : i1
        %not3A_235 = arith.constant true
        %not3A_236 = arith.xori %eq3A_124, %not3A_235 : i1
        %and3A_237 = arith.andi %or3A_234, %not3A_236 : i1
        %convert_element_type3A_238 = arith.extui %and3A_237 : i1 to i32
        %cond3A_239 = arith.constant 0 : i32
        %cond3A_240 = arith.cmpi ne, %convert_element_type3A_238, %cond3A_239 : i32
        scf.if %cond3A_240 {
          "tpu.trace_start"() <{level = 10 : i32, message = "ep_wait_out"}> : () -> ()
          %rem3A_261 = arith.constant 2 : i32
          %rem3A_262 = arith.remui %scan3A_121, %rem3A_261 : i32
          %mul3A_263 = arith.constant 64 : i32
          %mul3A_264 = arith.muli %mul3A_263, %add3A_136 : i32
          %dma_wait3A_265 = arith.constant 0 : i32
          %dma_wait3A_266 = arith.constant 0 : i32
          %dma_wait3A_267 = tpu.memref_slice %run_scoped3A_8[%rem3A_262, %dma_wait3A_265, %dma_wait3A_266] : memref<2x64x512xi32, #tpu.memory_space<vmem>> -> memref<1x64x512xi32, #tpu.memory_space<vmem>>
          %dma_wait3A_268 = tpu.memref_squeeze %dma_wait3A_267 : memref<1x64x512xi32, #tpu.memory_space<vmem>> -> memref<64x512xi32, #tpu.memory_space<vmem>>
          %dma_wait3A_269 = arith.constant 0 : i32
          %dma_wait3A_270 = tpu.memref_slice %arg4[%mul3A_264, %dma_wait3A_269] : memref<4096x512xi32, #tpu.memory_space<hbm>> -> memref<64x512xi32, #tpu.memory_space<hbm>>
          %dma_wait3A_271 = tpu.memref_slice %run_scoped3A_9[%rem3A_262] : memref<2x!tpu.dma_semaphore, #tpu.memory_space<semaphore_mem>> -> memref<1x!tpu.dma_semaphore, #tpu.memory_space<semaphore_mem>>
          %dma_wait3A_272 = tpu.memref_squeeze %dma_wait3A_271 : memref<1x!tpu.dma_semaphore, #tpu.memory_space<semaphore_mem>> -> memref<!tpu.dma_semaphore, #tpu.memory_space<semaphore_mem>>
          %dma_wait3A_273 = arith.constant 0 : i32
          %dma_wait3A_274 = tpu.memref_slice %arg4[%mul3A_264, %dma_wait3A_273] : memref<4096x512xi32, #tpu.memory_space<hbm>> -> memref<64x512xi32, #tpu.memory_space<hbm>>
          %dma_wait3A_275 = arith.constant 0 : i32
          %dma_wait3A_276 = arith.constant 0 : i32
          %dma_wait3A_277 = tpu.memref_slice %run_scoped3A_8[%rem3A_262, %dma_wait3A_275, %dma_wait3A_276] : memref<2x64x512xi32, #tpu.memory_space<vmem>> -> memref<1x64x512xi32, #tpu.memory_space<vmem>>
          %dma_wait3A_278 = tpu.memref_squeeze %dma_wait3A_277 : memref<1x64x512xi32, #tpu.memory_space<vmem>> -> memref<64x512xi32, #tpu.memory_space<vmem>>
          tpu.wait_dma2 semaphore(%dma_wait3A_272 : memref<!tpu.dma_semaphore, #tpu.memory_space<semaphore_mem>>) src(%dma_wait3A_278 : memref<64x512xi32, #tpu.memory_space<vmem>>) dst(%dma_wait3A_274 : memref<64x512xi32, #tpu.memory_space<hbm>>)
          "tpu.trace_stop"() : () -> ()
        } else {
        }
        %and3A_241 = arith.constant true
        %and3A_242 = arith.andi %and3A_237, %and3A_241 : i1
        %add3A_243 = arith.constant 1 : i32
        %add3A_244 = arith.addi %scan3A_121, %add3A_243 : i32
        %select_n3A_245 = arith.select %and3A_242, %add3A_244, %scan3A_121 : i32
        %ne3A_246 = arith.cmpi ne, %add3A_127, %add3A_145 : i32
        %or3A_247 = arith.constant false
        %or3A_248 = arith.ori %or3A_247, %ne3A_246 : i1
        %or3A_249 = arith.ori %or3A_248, %eq3A_126 : i1
        %add3A_250 = arith.constant 1 : i32
        %add3A_251 = arith.addi %scan3A_119, %add3A_250 : i32
        %select_n3A_252 = arith.select %or3A_249, %add3A_251, %scan3A_119 : i32
        %add3A_253 = arith.constant 1 : i32
        %add3A_254 = arith.addi %scan3A_122, %add3A_253 : i32
        %select_n3A_255 = arith.constant true
        %select_n3A_256 = arith.select %select_n3A_255, %add3A_254, %scan3A_122 : i32
        %eq3A_257 = arith.constant 2 : i32
        %eq3A_258 = arith.cmpi eq, %select_n3A_256, %eq3A_257 : i32
        %select_n3A_259 = arith.constant 0 : i32
        %select_n3A_260 = arith.select %eq3A_258, %select_n3A_259, %select_n3A_256 : i32
        scf.yield %select_n3A_163, %select_n3A_252, %select_n3A_218, %select_n3A_245, %select_n3A_260 : i32, i32, i32, i32, i32
      }
      %scan3A_64 = arith.constant 2 : i32
      %sub3A = arith.constant 1 : i32
      %sub3A_65 = arith.subi %scan3A_63#4, %sub3A : i32
      %select_n3A_66 = arith.constant true
      %select_n3A_67 = arith.select %select_n3A_66, %sub3A_65, %scan3A_63#4 : i32
      %eq3A_68 = arith.constant -1 : i32
      %eq3A_69 = arith.cmpi eq, %select_n3A_67, %eq3A_68 : i32
      %select_n3A_70 = arith.constant 1 : i32
      %select_n3A_71 = arith.select %eq3A_69, %select_n3A_70, %select_n3A_67 : i32
      %add3A_72 = arith.addi %select_n3A_71, %mul3A_6 : i32
      %sub3A_73 = arith.constant 1 : i32
      %sub3A_74 = arith.subi %select_n3A_71, %sub3A_73 : i32
      %select_n3A_75 = arith.constant true
      %select_n3A_76 = arith.select %select_n3A_75, %sub3A_74, %select_n3A_71 : i32
      %eq3A_77 = arith.constant -1 : i32
      %eq3A_78 = arith.cmpi eq, %select_n3A_76, %eq3A_77 : i32
      %select_n3A_79 = arith.constant 1 : i32
      %select_n3A_80 = arith.select %eq3A_78, %select_n3A_79, %select_n3A_76 : i32
      %add3A_81 = arith.addi %select_n3A_80, %mul3A_6 : i32
      %add3A_82 = arith.constant 1 : i32
      %add3A_83 = arith.addi %select_n3A_71, %add3A_82 : i32
      %select_n3A_84 = arith.constant true
      %select_n3A_85 = arith.select %select_n3A_84, %add3A_83, %select_n3A_71 : i32
      %eq3A_86 = arith.constant 2 : i32
      %eq3A_87 = arith.cmpi eq, %select_n3A_85, %eq3A_86 : i32
      %select_n3A_88 = arith.constant 0 : i32
      %select_n3A_89 = arith.select %eq3A_87, %select_n3A_88, %select_n3A_85 : i32
      %add3A_90 = arith.addi %select_n3A_89, %mul3A_6 : i32
      %add3A_91 = arith.constant 1 : i32
      %add3A_92 = arith.addi %select_n3A_89, %add3A_91 : i32
      %select_n3A_93 = arith.constant true
      %select_n3A_94 = arith.select %select_n3A_93, %add3A_92, %select_n3A_89 : i32
      %eq3A_95 = arith.constant 2 : i32
      %eq3A_96 = arith.cmpi eq, %select_n3A_94, %eq3A_95 : i32
      %select_n3A_97 = arith.constant 0 : i32
      %select_n3A_98 = arith.select %eq3A_96, %select_n3A_97, %select_n3A_94 : i32
      %add3A_99 = arith.addi %select_n3A_98, %mul3A_6 : i32
      "tpu.trace_start"() <{level = 10 : i32, message = "ep_finalize"}> : () -> ()
      %rem3A_100 = arith.constant 2 : i32
      %rem3A_101 = arith.remui %scan3A_63#3, %rem3A_100 : i32
      %mul3A_102 = arith.constant 64 : i32
      %mul3A_103 = arith.muli %mul3A_102, %add3A_72 : i32
      %dma_wait3A = arith.constant 0 : i32
      %dma_wait3A_104 = arith.constant 0 : i32
      %dma_wait3A_105 = tpu.memref_slice %run_scoped3A_8[%rem3A_101, %dma_wait3A, %dma_wait3A_104] : memref<2x64x512xi32, #tpu.memory_space<vmem>> -> memref<1x64x512xi32, #tpu.memory_space<vmem>>
      %dma_wait3A_106 = tpu.memref_squeeze %dma_wait3A_105 : memref<1x64x512xi32, #tpu.memory_space<vmem>> -> memref<64x512xi32, #tpu.memory_space<vmem>>
      %dma_wait3A_107 = arith.constant 0 : i32
      %dma_wait3A_108 = tpu.memref_slice %arg4[%mul3A_103, %dma_wait3A_107] : memref<4096x512xi32, #tpu.memory_space<hbm>> -> memref<64x512xi32, #tpu.memory_space<hbm>>
      %dma_wait3A_109 = tpu.memref_slice %run_scoped3A_9[%rem3A_101] : memref<2x!tpu.dma_semaphore, #tpu.memory_space<semaphore_mem>> -> memref<1x!tpu.dma_semaphore, #tpu.memory_space<semaphore_mem>>
      %dma_wait3A_110 = tpu.memref_squeeze %dma_wait3A_109 : memref<1x!tpu.dma_semaphore, #tpu.memory_space<semaphore_mem>> -> memref<!tpu.dma_semaphore, #tpu.memory_space<semaphore_mem>>
      %dma_wait3A_111 = arith.constant 0 : i32
      %dma_wait3A_112 = tpu.memref_slice %arg4[%mul3A_103, %dma_wait3A_111] : memref<4096x512xi32, #tpu.memory_space<hbm>> -> memref<64x512xi32, #tpu.memory_space<hbm>>
      %dma_wait3A_113 = arith.constant 0 : i32
      %dma_wait3A_114 = arith.constant 0 : i32
      %dma_wait3A_115 = tpu.memref_slice %run_scoped3A_8[%rem3A_101, %dma_wait3A_113, %dma_wait3A_114] : memref<2x64x512xi32, #tpu.memory_space<vmem>> -> memref<1x64x512xi32, #tpu.memory_space<vmem>>
      %dma_wait3A_116 = tpu.memref_squeeze %dma_wait3A_115 : memref<1x64x512xi32, #tpu.memory_space<vmem>> -> memref<64x512xi32, #tpu.memory_space<vmem>>
      tpu.wait_dma2 semaphore(%dma_wait3A_110 : memref<!tpu.dma_semaphore, #tpu.memory_space<semaphore_mem>>) src(%dma_wait3A_116 : memref<64x512xi32, #tpu.memory_space<vmem>>) dst(%dma_wait3A_112 : memref<64x512xi32, #tpu.memory_space<hbm>>)
      "tpu.trace_stop"() : () -> ()
      tpu.yield
    }) : () -> ()
    return
  }
}

#map = affine_map<(d0, d1) -> (0, 0)>
#map1 = affine_map<(d0, d1) -> (0)>
module attributes {stable_mosaic.version = 14 : i64} {
  func.func @k(%arg0: i32, %arg1: i32, %arg2: memref<2048x512xi32, #tpu.memory_space<hbm>>, %arg3: memref<4096xi32, #tpu.memory_space<hbm>>, %arg4: memref<6144x512xi32, #tpu.memory_space<hbm>>) attributes {dimension_semantics = [#tpu.dimension_semantics<core_parallel>, #tpu.dimension_semantics<subcore_parallel>], iteration_bounds = array<i64: 2, 16>, scalar_prefetch = 0 : i64, scratch_operands = 0 : i64, tpu.core_type = #tpu.core_type<sc_vector_subcore>, window_params = [{transform_indices = #map}, {transform_indices = #map1}, {transform_indices = #map}]} {
    %mul3A = arith.constant 1 : i32
    %mul3A_0 = arith.muli %arg1, %mul3A : i32
    %add3A = arith.constant 0 : i32
    %add3A_1 = arith.addi %add3A, %mul3A_0 : i32
    %mul3A_2 = arith.constant 16 : i32
    %mul3A_3 = arith.muli %arg0, %mul3A_2 : i32
    %add3A_4 = arith.addi %add3A_1, %mul3A_3 : i32
    %mul3A_5 = arith.constant 2 : i32
    %mul3A_6 = arith.muli %add3A_4, %mul3A_5 : i32
    "tpu.region"() ({
      %run_scoped3A = memref.alloca() : memref<2x64x512xi32, #tpu.memory_space<vmem>>
      %run_scoped3A_7 = tpu.sem_alloc : memref<2x!tpu.dma_semaphore, #tpu.memory_space<semaphore_mem>>
      %run_scoped3A_8 = memref.alloca() : memref<128xi32, #tpu.memory_space<vmem>>
      %run_scoped3A_9 = tpu.sem_alloc : memref<2x!tpu.dma_semaphore, #tpu.memory_space<semaphore_mem>>
      %add3A_10 = arith.constant 0 : i32
      %add3A_11 = arith.addi %add3A_10, %mul3A_6 : i32
      %select_n3A = arith.constant true
      %select_n3A_12 = arith.constant 0 : i32
      %select_n3A_13 = arith.constant -1 : i32
      %select_n3A_14 = arith.select %select_n3A, %select_n3A_13, %select_n3A_12 : i32
      %eq3A = arith.constant -1 : i32
      %eq3A_15 = arith.cmpi eq, %select_n3A_14, %eq3A : i32
      %select_n3A_16 = arith.constant 1 : i32
      %select_n3A_17 = arith.select %eq3A_15, %select_n3A_16, %select_n3A_14 : i32
      %add3A_18 = arith.addi %select_n3A_17, %mul3A_6 : i32
      %select_n3A_19 = arith.constant true
      %select_n3A_20 = arith.constant 0 : i32
      %select_n3A_21 = arith.constant 1 : i32
      %select_n3A_22 = arith.select %select_n3A_19, %select_n3A_21, %select_n3A_20 : i32
      %eq3A_23 = arith.constant 2 : i32
      %eq3A_24 = arith.cmpi eq, %select_n3A_22, %eq3A_23 : i32
      %select_n3A_25 = arith.constant 0 : i32
      %select_n3A_26 = arith.select %eq3A_24, %select_n3A_25, %select_n3A_22 : i32
      %add3A_27 = arith.addi %select_n3A_26, %mul3A_6 : i32
      %add3A_28 = arith.constant 1 : i32
      %add3A_29 = arith.addi %select_n3A_26, %add3A_28 : i32
      %select_n3A_30 = arith.constant true
      %select_n3A_31 = arith.select %select_n3A_30, %add3A_29, %select_n3A_26 : i32
      %eq3A_32 = arith.constant 2 : i32
      %eq3A_33 = arith.cmpi eq, %select_n3A_31, %eq3A_32 : i32
      %select_n3A_34 = arith.constant 0 : i32
      %select_n3A_35 = arith.select %eq3A_33, %select_n3A_34, %select_n3A_31 : i32
      %add3A_36 = arith.addi %select_n3A_35, %mul3A_6 : i32
      "tpu.trace_start"() <{level = 10 : i32, message = "ep_initialize_0"}> : () -> ()
      %rem3A = arith.constant 0 : i32
      %rem3A_37 = arith.constant 2 : i32
      %rem3A_38 = arith.remui %rem3A, %rem3A_37 : i32
      %jit3A = arith.constant 32 : i32
      %eq3A_39 = arith.constant 0 : i32
      %eq3A_40 = arith.cmpi eq, %jit3A, %eq3A_39 : i32
      %jit3A_41 = arith.constant 1 : i32
      %select_n3A_42 = arith.select %eq3A_40, %jit3A_41, %jit3A : i32
      %rem3A_43 = arith.remsi %add3A_11, %select_n3A_42 : i32
      %ne3A = arith.constant 0 : i32
      %ne3A_44 = arith.cmpi ne, %rem3A_43, %ne3A : i32
      %lt3A = arith.constant 0 : i32
      %lt3A_45 = arith.cmpi slt, %rem3A_43, %lt3A : i32
      %lt3A_46 = arith.constant 0 : i32
      %lt3A_47 = arith.cmpi slt, %select_n3A_42, %lt3A_46 : i32
      %ne3A_48 = arith.xori %lt3A_45, %lt3A_47 : i1
      %and3A = arith.andi %ne3A_48, %ne3A_44 : i1
      %add3A_49 = arith.addi %rem3A_43, %select_n3A_42 : i32
      %select_n3A_50 = arith.select %and3A, %add3A_49, %rem3A_43 : i32
      %mul3A_51 = arith.constant 64 : i32
      %mul3A_52 = arith.muli %mul3A_51, %select_n3A_50 : i32
      %dma_start3A = arith.constant 0 : i32
      %dma_start3A_53 = arith.constant 0 : i32
      %dma_start3A_54 = tpu.memref_slice %run_scoped3A[%rem3A_38, %dma_start3A, %dma_start3A_53] : memref<2x64x512xi32, #tpu.memory_space<vmem>> -> memref<1x64x512xi32, #tpu.memory_space<vmem>>
      %dma_start3A_55 = tpu.memref_squeeze %dma_start3A_54 : memref<1x64x512xi32, #tpu.memory_space<vmem>> -> memref<64x512xi32, #tpu.memory_space<vmem>>
      %dma_start3A_56 = arith.constant 0 : i32
      %dma_start3A_57 = tpu.memref_slice %arg2[%mul3A_52, %dma_start3A_56] : memref<2048x512xi32, #tpu.memory_space<hbm>> -> memref<64x512xi32, #tpu.memory_space<hbm>>
      %dma_start3A_58 = tpu.memref_slice %run_scoped3A_7[%rem3A_38] : memref<2x!tpu.dma_semaphore, #tpu.memory_space<semaphore_mem>> -> memref<1x!tpu.dma_semaphore, #tpu.memory_space<semaphore_mem>>
      %dma_start3A_59 = tpu.memref_squeeze %dma_start3A_58 : memref<1x!tpu.dma_semaphore, #tpu.memory_space<semaphore_mem>> -> memref<!tpu.dma_semaphore, #tpu.memory_space<semaphore_mem>>
      %dma_start3A_60 = arith.constant 0 : i32
      %dma_start3A_61 = arith.constant 0 : i32
      %dma_start3A_62 = tpu.memref_slice %run_scoped3A[%rem3A_38, %dma_start3A_60, %dma_start3A_61] : memref<2x64x512xi32, #tpu.memory_space<vmem>> -> memref<1x64x512xi32, #tpu.memory_space<vmem>>
      %dma_start3A_63 = tpu.memref_squeeze %dma_start3A_62 : memref<1x64x512xi32, #tpu.memory_space<vmem>> -> memref<64x512xi32, #tpu.memory_space<vmem>>
      %dma_start3A_64 = arith.constant 0 : i32
      %dma_start3A_65 = tpu.memref_slice %arg2[%mul3A_52, %dma_start3A_64] : memref<2048x512xi32, #tpu.memory_space<hbm>> -> memref<64x512xi32, #tpu.memory_space<hbm>>
      tpu.enqueue_dma source(%dma_start3A_65 : memref<64x512xi32, #tpu.memory_space<hbm>>) target(%dma_start3A_63 : memref<64x512xi32, #tpu.memory_space<vmem>>) target_semaphore(%dma_start3A_59 : memref<!tpu.dma_semaphore, #tpu.memory_space<semaphore_mem>>)
      %add3A_66 = arith.constant 0 : i32
      %add3A_67 = arith.constant 1 : i32
      %add3A_68 = arith.addi %add3A_66, %add3A_67 : i32
      %select_n3A_69 = arith.constant true
      %select_n3A_70 = arith.constant 0 : i32
      %select_n3A_71 = arith.select %select_n3A_69, %add3A_68, %select_n3A_70 : i32
      %rem3A_72 = arith.constant 0 : i32
      %rem3A_73 = arith.constant 2 : i32
      %rem3A_74 = arith.remui %rem3A_72, %rem3A_73 : i32
      %mul3A_75 = arith.constant 64 : i32
      %mul3A_76 = arith.muli %mul3A_75, %add3A_11 : i32
      %mul3A_77 = arith.constant 64 : i32
      %mul3A_78 = arith.muli %rem3A_74, %mul3A_77 : i32
      %add3A_79 = arith.constant 0 : i32
      %add3A_80 = arith.addi %mul3A_78, %add3A_79 : i32
      %dma_start3A_81 = tpu.memref_slice %run_scoped3A_8[%add3A_80] : memref<128xi32, #tpu.memory_space<vmem>> -> memref<64xi32, #tpu.memory_space<vmem>>
      %dma_start3A_82 = tpu.memref_slice %arg3[%mul3A_76] : memref<4096xi32, #tpu.memory_space<hbm>> -> memref<64xi32, #tpu.memory_space<hbm>>
      %dma_start3A_83 = tpu.memref_slice %run_scoped3A_9[%rem3A_74] : memref<2x!tpu.dma_semaphore, #tpu.memory_space<semaphore_mem>> -> memref<1x!tpu.dma_semaphore, #tpu.memory_space<semaphore_mem>>
      %dma_start3A_84 = tpu.memref_squeeze %dma_start3A_83 : memref<1x!tpu.dma_semaphore, #tpu.memory_space<semaphore_mem>> -> memref<!tpu.dma_semaphore, #tpu.memory_space<semaphore_mem>>
      %dma_start3A_85 = tpu.memref_slice %run_scoped3A_8[%add3A_80] : memref<128xi32, #tpu.memory_space<vmem>> -> memref<64xi32, #tpu.memory_space<vmem>>
      %dma_start3A_86 = tpu.memref_slice %arg3[%mul3A_76] : memref<4096xi32, #tpu.memory_space<hbm>> -> memref<64xi32, #tpu.memory_space<hbm>>
      tpu.enqueue_dma source(%dma_start3A_86 : memref<64xi32, #tpu.memory_space<hbm>>) target(%dma_start3A_85 : memref<64xi32, #tpu.memory_space<vmem>>) target_semaphore(%dma_start3A_84 : memref<!tpu.dma_semaphore, #tpu.memory_space<semaphore_mem>>)
      %add3A_87 = arith.constant 0 : i32
      %add3A_88 = arith.constant 1 : i32
      %add3A_89 = arith.addi %add3A_87, %add3A_88 : i32
      %select_n3A_90 = arith.constant true
      %select_n3A_91 = arith.constant 0 : i32
      %select_n3A_92 = arith.select %select_n3A_90, %add3A_89, %select_n3A_91 : i32
      "tpu.trace_stop"() : () -> ()
      %scan3A = arith.constant 0 : i32
      %scan3A_93 = arith.constant 0 : i32
      %scan3A_94 = arith.constant 0 : i32
      %scan3A_95 = arith.constant 0 : i32
      %scan3A_96 = arith.constant 2 : i32
      %scan3A_97 = arith.addi %scan3A_95, %scan3A_96 : i32
      %scan3A_98 = arith.constant 1 : i32
      %scan3A_99:5 = scf.for %scan3A_136 = %scan3A_95 to %scan3A_97 step %scan3A_98 iter_args(%scan3A_137 = %select_n3A_71, %scan3A_138 = %scan3A, %scan3A_139 = %select_n3A_92, %scan3A_140 = %scan3A_93, %scan3A_141 = %scan3A_94) -> (i32, i32, i32, i32, i32)  : i32 {
        %eq3A_142 = arith.constant 0 : i32
        %eq3A_143 = arith.cmpi eq, %scan3A_136, %eq3A_142 : i32
        %eq3A_144 = arith.constant 1 : i32
        %eq3A_145 = arith.cmpi eq, %scan3A_136, %eq3A_144 : i32
        %add3A_146 = arith.addi %scan3A_141, %mul3A_6 : i32
        %sub3A_147 = arith.constant 1 : i32
        %sub3A_148 = arith.subi %scan3A_141, %sub3A_147 : i32
        %select_n3A_149 = arith.constant true
        %select_n3A_150 = arith.select %select_n3A_149, %sub3A_148, %scan3A_141 : i32
        %eq3A_151 = arith.constant -1 : i32
        %eq3A_152 = arith.cmpi eq, %select_n3A_150, %eq3A_151 : i32
        %select_n3A_153 = arith.constant 1 : i32
        %select_n3A_154 = arith.select %eq3A_152, %select_n3A_153, %select_n3A_150 : i32
        %add3A_155 = arith.addi %select_n3A_154, %mul3A_6 : i32
        %add3A_156 = arith.constant 1 : i32
        %add3A_157 = arith.addi %scan3A_141, %add3A_156 : i32
        %select_n3A_158 = arith.constant true
        %select_n3A_159 = arith.select %select_n3A_158, %add3A_157, %scan3A_141 : i32
        %eq3A_160 = arith.constant 2 : i32
        %eq3A_161 = arith.cmpi eq, %select_n3A_159, %eq3A_160 : i32
        %select_n3A_162 = arith.constant 0 : i32
        %select_n3A_163 = arith.select %eq3A_161, %select_n3A_162, %select_n3A_159 : i32
        %add3A_164 = arith.addi %select_n3A_163, %mul3A_6 : i32
        %add3A_165 = arith.constant 1 : i32
        %add3A_166 = arith.addi %select_n3A_163, %add3A_165 : i32
        %select_n3A_167 = arith.constant true
        %select_n3A_168 = arith.select %select_n3A_167, %add3A_166, %select_n3A_163 : i32
        %eq3A_169 = arith.constant 2 : i32
        %eq3A_170 = arith.cmpi eq, %select_n3A_168, %eq3A_169 : i32
        %select_n3A_171 = arith.constant 0 : i32
        %select_n3A_172 = arith.select %eq3A_170, %select_n3A_171, %select_n3A_168 : i32
        %add3A_173 = arith.addi %select_n3A_172, %mul3A_6 : i32
        %jit3A_174 = arith.constant 32 : i32
        %eq3A_175 = arith.constant 0 : i32
        %eq3A_176 = arith.cmpi eq, %jit3A_174, %eq3A_175 : i32
        %jit3A_177 = arith.constant 1 : i32
        %select_n3A_178 = arith.select %eq3A_176, %jit3A_177, %jit3A_174 : i32
        %rem3A_179 = arith.remsi %add3A_146, %select_n3A_178 : i32
        %ne3A_180 = arith.constant 0 : i32
        %ne3A_181 = arith.cmpi ne, %rem3A_179, %ne3A_180 : i32
        %lt3A_182 = arith.constant 0 : i32
        %lt3A_183 = arith.cmpi slt, %rem3A_179, %lt3A_182 : i32
        %lt3A_184 = arith.constant 0 : i32
        %lt3A_185 = arith.cmpi slt, %select_n3A_178, %lt3A_184 : i32
        %ne3A_186 = arith.xori %lt3A_183, %lt3A_185 : i1
        %and3A_187 = arith.andi %ne3A_186, %ne3A_181 : i1
        %add3A_188 = arith.addi %rem3A_179, %select_n3A_178 : i32
        %select_n3A_189 = arith.select %and3A_187, %add3A_188, %rem3A_179 : i32
        %jit3A_190 = arith.constant 32 : i32
        %eq3A_191 = arith.constant 0 : i32
        %eq3A_192 = arith.cmpi eq, %jit3A_190, %eq3A_191 : i32
        %jit3A_193 = arith.constant 1 : i32
        %select_n3A_194 = arith.select %eq3A_192, %jit3A_193, %jit3A_190 : i32
        %rem3A_195 = arith.remsi %add3A_164, %select_n3A_194 : i32
        %ne3A_196 = arith.constant 0 : i32
        %ne3A_197 = arith.cmpi ne, %rem3A_195, %ne3A_196 : i32
        %lt3A_198 = arith.constant 0 : i32
        %lt3A_199 = arith.cmpi slt, %rem3A_195, %lt3A_198 : i32
        %lt3A_200 = arith.constant 0 : i32
        %lt3A_201 = arith.cmpi slt, %select_n3A_194, %lt3A_200 : i32
        %ne3A_202 = arith.xori %lt3A_199, %lt3A_201 : i1
        %and3A_203 = arith.andi %ne3A_202, %ne3A_197 : i1
        %add3A_204 = arith.addi %rem3A_195, %select_n3A_194 : i32
        %select_n3A_205 = arith.select %and3A_203, %add3A_204, %rem3A_195 : i32
        %ne3A_206 = arith.cmpi ne, %select_n3A_189, %select_n3A_205 : i32
        %or3A = arith.constant false
        %or3A_207 = arith.ori %or3A, %ne3A_206 : i1
        %or3A_208 = arith.constant false
        %or3A_209 = arith.ori %or3A_207, %or3A_208 : i1
        %ge3A = arith.constant 1 : i32
        %ge3A_210 = arith.cmpi sge, %scan3A_136, %ge3A : i32
        %not3A = arith.constant true
        %not3A_211 = arith.xori %ge3A_210, %not3A : i1
        %and3A_212 = arith.andi %or3A_209, %not3A_211 : i1
        %convert_element_type3A = arith.extui %and3A_212 : i1 to i32
        %cond3A = arith.constant 0 : i32
        %cond3A_213 = arith.cmpi ne, %convert_element_type3A, %cond3A : i32
        scf.if %cond3A_213 {
          "tpu.trace_start"() <{level = 10 : i32, message = "ep_copy_in"}> : () -> ()
          %rem3A_453 = arith.constant 2 : i32
          %rem3A_454 = arith.remui %scan3A_137, %rem3A_453 : i32
          %jit3A_455 = arith.constant 32 : i32
          %eq3A_456 = arith.constant 0 : i32
          %eq3A_457 = arith.cmpi eq, %jit3A_455, %eq3A_456 : i32
          %jit3A_458 = arith.constant 1 : i32
          %select_n3A_459 = arith.select %eq3A_457, %jit3A_458, %jit3A_455 : i32
          %rem3A_460 = arith.remsi %add3A_164, %select_n3A_459 : i32
          %ne3A_461 = arith.constant 0 : i32
          %ne3A_462 = arith.cmpi ne, %rem3A_460, %ne3A_461 : i32
          %lt3A_463 = arith.constant 0 : i32
          %lt3A_464 = arith.cmpi slt, %rem3A_460, %lt3A_463 : i32
          %lt3A_465 = arith.constant 0 : i32
          %lt3A_466 = arith.cmpi slt, %select_n3A_459, %lt3A_465 : i32
          %ne3A_467 = arith.xori %lt3A_464, %lt3A_466 : i1
          %and3A_468 = arith.andi %ne3A_467, %ne3A_462 : i1
          %add3A_469 = arith.addi %rem3A_460, %select_n3A_459 : i32
          %select_n3A_470 = arith.select %and3A_468, %add3A_469, %rem3A_460 : i32
          %mul3A_471 = arith.constant 64 : i32
          %mul3A_472 = arith.muli %mul3A_471, %select_n3A_470 : i32
          %dma_start3A_473 = arith.constant 0 : i32
          %dma_start3A_474 = arith.constant 0 : i32
          %dma_start3A_475 = tpu.memref_slice %run_scoped3A[%rem3A_454, %dma_start3A_473, %dma_start3A_474] : memref<2x64x512xi32, #tpu.memory_space<vmem>> -> memref<1x64x512xi32, #tpu.memory_space<vmem>>
          %dma_start3A_476 = tpu.memref_squeeze %dma_start3A_475 : memref<1x64x512xi32, #tpu.memory_space<vmem>> -> memref<64x512xi32, #tpu.memory_space<vmem>>
          %dma_start3A_477 = arith.constant 0 : i32
          %dma_start3A_478 = tpu.memref_slice %arg2[%mul3A_472, %dma_start3A_477] : memref<2048x512xi32, #tpu.memory_space<hbm>> -> memref<64x512xi32, #tpu.memory_space<hbm>>
          %dma_start3A_479 = tpu.memref_slice %run_scoped3A_7[%rem3A_454] : memref<2x!tpu.dma_semaphore, #tpu.memory_space<semaphore_mem>> -> memref<1x!tpu.dma_semaphore, #tpu.memory_space<semaphore_mem>>
          %dma_start3A_480 = tpu.memref_squeeze %dma_start3A_479 : memref<1x!tpu.dma_semaphore, #tpu.memory_space<semaphore_mem>> -> memref<!tpu.dma_semaphore, #tpu.memory_space<semaphore_mem>>
          %dma_start3A_481 = arith.constant 0 : i32
          %dma_start3A_482 = arith.constant 0 : i32
          %dma_start3A_483 = tpu.memref_slice %run_scoped3A[%rem3A_454, %dma_start3A_481, %dma_start3A_482] : memref<2x64x512xi32, #tpu.memory_space<vmem>> -> memref<1x64x512xi32, #tpu.memory_space<vmem>>
          %dma_start3A_484 = tpu.memref_squeeze %dma_start3A_483 : memref<1x64x512xi32, #tpu.memory_space<vmem>> -> memref<64x512xi32, #tpu.memory_space<vmem>>
          %dma_start3A_485 = arith.constant 0 : i32
          %dma_start3A_486 = tpu.memref_slice %arg2[%mul3A_472, %dma_start3A_485] : memref<2048x512xi32, #tpu.memory_space<hbm>> -> memref<64x512xi32, #tpu.memory_space<hbm>>
          tpu.enqueue_dma source(%dma_start3A_486 : memref<64x512xi32, #tpu.memory_space<hbm>>) target(%dma_start3A_484 : memref<64x512xi32, #tpu.memory_space<vmem>>) target_semaphore(%dma_start3A_480 : memref<!tpu.dma_semaphore, #tpu.memory_space<semaphore_mem>>)
          "tpu.trace_stop"() : () -> ()
        } else {
        }
        %and3A_214 = arith.constant true
        %and3A_215 = arith.andi %and3A_212, %and3A_214 : i1
        %add3A_216 = arith.constant 1 : i32
        %add3A_217 = arith.addi %scan3A_137, %add3A_216 : i32
        %select_n3A_218 = arith.select %and3A_215, %add3A_217, %scan3A_137 : i32
        %ne3A_219 = arith.cmpi ne, %add3A_146, %add3A_164 : i32
        %or3A_220 = arith.constant false
        %or3A_221 = arith.ori %or3A_220, %ne3A_219 : i1
        %ge3A_222 = arith.constant 1 : i32
        %ge3A_223 = arith.cmpi sge, %scan3A_136, %ge3A_222 : i32
        %not3A_224 = arith.constant true
        %not3A_225 = arith.xori %ge3A_223, %not3A_224 : i1
        %and3A_226 = arith.andi %or3A_221, %not3A_225 : i1
        %convert_element_type3A_227 = arith.extui %and3A_226 : i1 to i32
        %cond3A_228 = arith.constant 0 : i32
        %cond3A_229 = arith.cmpi ne, %convert_element_type3A_227, %cond3A_228 : i32
        scf.if %cond3A_229 {
          "tpu.trace_start"() <{level = 10 : i32, message = "ep_copy_in"}> : () -> ()
          %rem3A_453 = arith.constant 2 : i32
          %rem3A_454 = arith.remui %scan3A_139, %rem3A_453 : i32
          %mul3A_455 = arith.constant 64 : i32
          %mul3A_456 = arith.muli %mul3A_455, %add3A_164 : i32
          %mul3A_457 = arith.constant 64 : i32
          %mul3A_458 = arith.muli %rem3A_454, %mul3A_457 : i32
          %add3A_459 = arith.constant 0 : i32
          %add3A_460 = arith.addi %mul3A_458, %add3A_459 : i32
          %dma_start3A_461 = tpu.memref_slice %run_scoped3A_8[%add3A_460] : memref<128xi32, #tpu.memory_space<vmem>> -> memref<64xi32, #tpu.memory_space<vmem>>
          %dma_start3A_462 = tpu.memref_slice %arg3[%mul3A_456] : memref<4096xi32, #tpu.memory_space<hbm>> -> memref<64xi32, #tpu.memory_space<hbm>>
          %dma_start3A_463 = tpu.memref_slice %run_scoped3A_9[%rem3A_454] : memref<2x!tpu.dma_semaphore, #tpu.memory_space<semaphore_mem>> -> memref<1x!tpu.dma_semaphore, #tpu.memory_space<semaphore_mem>>
          %dma_start3A_464 = tpu.memref_squeeze %dma_start3A_463 : memref<1x!tpu.dma_semaphore, #tpu.memory_space<semaphore_mem>> -> memref<!tpu.dma_semaphore, #tpu.memory_space<semaphore_mem>>
          %dma_start3A_465 = tpu.memref_slice %run_scoped3A_8[%add3A_460] : memref<128xi32, #tpu.memory_space<vmem>> -> memref<64xi32, #tpu.memory_space<vmem>>
          %dma_start3A_466 = tpu.memref_slice %arg3[%mul3A_456] : memref<4096xi32, #tpu.memory_space<hbm>> -> memref<64xi32, #tpu.memory_space<hbm>>
          tpu.enqueue_dma source(%dma_start3A_466 : memref<64xi32, #tpu.memory_space<hbm>>) target(%dma_start3A_465 : memref<64xi32, #tpu.memory_space<vmem>>) target_semaphore(%dma_start3A_464 : memref<!tpu.dma_semaphore, #tpu.memory_space<semaphore_mem>>)
          "tpu.trace_stop"() : () -> ()
        } else {
        }
        %and3A_230 = arith.constant true
        %and3A_231 = arith.andi %and3A_226, %and3A_230 : i1
        %add3A_232 = arith.constant 1 : i32
        %add3A_233 = arith.addi %scan3A_139, %add3A_232 : i32
        %select_n3A_234 = arith.select %and3A_231, %add3A_233, %scan3A_139 : i32
        %jit3A_235 = arith.constant 32 : i32
        %eq3A_236 = arith.constant 0 : i32
        %eq3A_237 = arith.cmpi eq, %jit3A_235, %eq3A_236 : i32
        %jit3A_238 = arith.constant 1 : i32
        %select_n3A_239 = arith.select %eq3A_237, %jit3A_238, %jit3A_235 : i32
        %rem3A_240 = arith.remsi %add3A_146, %select_n3A_239 : i32
        %ne3A_241 = arith.constant 0 : i32
        %ne3A_242 = arith.cmpi ne, %rem3A_240, %ne3A_241 : i32
        %lt3A_243 = arith.constant 0 : i32
        %lt3A_244 = arith.cmpi slt, %rem3A_240, %lt3A_243 : i32
        %lt3A_245 = arith.constant 0 : i32
        %lt3A_246 = arith.cmpi slt, %select_n3A_239, %lt3A_245 : i32
        %ne3A_247 = arith.xori %lt3A_244, %lt3A_246 : i1
        %and3A_248 = arith.andi %ne3A_247, %ne3A_242 : i1
        %add3A_249 = arith.addi %rem3A_240, %select_n3A_239 : i32
        %select_n3A_250 = arith.select %and3A_248, %add3A_249, %rem3A_240 : i32
        %jit3A_251 = arith.constant 32 : i32
        %eq3A_252 = arith.constant 0 : i32
        %eq3A_253 = arith.cmpi eq, %jit3A_251, %eq3A_252 : i32
        %jit3A_254 = arith.constant 1 : i32
        %select_n3A_255 = arith.select %eq3A_253, %jit3A_254, %jit3A_251 : i32
        %rem3A_256 = arith.remsi %add3A_155, %select_n3A_255 : i32
        %ne3A_257 = arith.constant 0 : i32
        %ne3A_258 = arith.cmpi ne, %rem3A_256, %ne3A_257 : i32
        %lt3A_259 = arith.constant 0 : i32
        %lt3A_260 = arith.cmpi slt, %rem3A_256, %lt3A_259 : i32
        %lt3A_261 = arith.constant 0 : i32
        %lt3A_262 = arith.cmpi slt, %select_n3A_255, %lt3A_261 : i32
        %ne3A_263 = arith.xori %lt3A_260, %lt3A_262 : i1
        %and3A_264 = arith.andi %ne3A_263, %ne3A_258 : i1
        %add3A_265 = arith.addi %rem3A_256, %select_n3A_255 : i32
        %select_n3A_266 = arith.select %and3A_264, %add3A_265, %rem3A_256 : i32
        %ne3A_267 = arith.cmpi ne, %select_n3A_250, %select_n3A_266 : i32
        %or3A_268 = arith.constant false
        %or3A_269 = arith.ori %or3A_268, %ne3A_267 : i1
        %or3A_270 = arith.constant false
        %or3A_271 = arith.ori %or3A_269, %or3A_270 : i1
        %or3A_272 = arith.ori %or3A_271, %eq3A_143 : i1
        %convert_element_type3A_273 = arith.extui %or3A_272 : i1 to i32
        %cond3A_274 = arith.constant 0 : i32
        %cond3A_275 = arith.cmpi ne, %convert_element_type3A_273, %cond3A_274 : i32
        scf.if %cond3A_275 {
          %jit3A_453 = arith.constant 32 : i32
          "tpu.trace_start"() <{level = 10 : i32, message = "ep_wait_in"}> : () -> ()
          %eq3A_454 = arith.constant 0 : i32
          %eq3A_455 = arith.cmpi eq, %jit3A_453, %eq3A_454 : i32
          %jit3A_456 = arith.constant 1 : i32
          %select_n3A_457 = arith.select %eq3A_455, %jit3A_456, %jit3A_453 : i32
          %rem3A_458 = arith.remsi %add3A_146, %select_n3A_457 : i32
          %ne3A_459 = arith.constant 0 : i32
          %ne3A_460 = arith.cmpi ne, %rem3A_458, %ne3A_459 : i32
          %lt3A_461 = arith.constant 0 : i32
          %lt3A_462 = arith.cmpi slt, %rem3A_458, %lt3A_461 : i32
          %lt3A_463 = arith.constant 0 : i32
          %lt3A_464 = arith.cmpi slt, %select_n3A_457, %lt3A_463 : i32
          %ne3A_465 = arith.xori %lt3A_462, %lt3A_464 : i1
          %and3A_466 = arith.andi %ne3A_465, %ne3A_460 : i1
          %add3A_467 = arith.addi %rem3A_458, %select_n3A_457 : i32
          %select_n3A_468 = arith.select %and3A_466, %add3A_467, %rem3A_458 : i32
          %mul3A_469 = arith.constant 64 : i32
          %mul3A_470 = arith.muli %mul3A_469, %select_n3A_468 : i32
          %rem3A_471 = arith.constant 2 : i32
          %rem3A_472 = arith.remui %scan3A_138, %rem3A_471 : i32
          %dma_wait3A = arith.constant 0 : i32
          %dma_wait3A_473 = arith.constant 0 : i32
          %dma_wait3A_474 = tpu.memref_slice %run_scoped3A[%rem3A_472, %dma_wait3A, %dma_wait3A_473] : memref<2x64x512xi32, #tpu.memory_space<vmem>> -> memref<1x64x512xi32, #tpu.memory_space<vmem>>
          %dma_wait3A_475 = tpu.memref_squeeze %dma_wait3A_474 : memref<1x64x512xi32, #tpu.memory_space<vmem>> -> memref<64x512xi32, #tpu.memory_space<vmem>>
          %dma_wait3A_476 = arith.constant 0 : i32
          %dma_wait3A_477 = tpu.memref_slice %arg2[%mul3A_470, %dma_wait3A_476] : memref<2048x512xi32, #tpu.memory_space<hbm>> -> memref<64x512xi32, #tpu.memory_space<hbm>>
          %dma_wait3A_478 = tpu.memref_slice %run_scoped3A_7[%rem3A_472] : memref<2x!tpu.dma_semaphore, #tpu.memory_space<semaphore_mem>> -> memref<1x!tpu.dma_semaphore, #tpu.memory_space<semaphore_mem>>
          %dma_wait3A_479 = tpu.memref_squeeze %dma_wait3A_478 : memref<1x!tpu.dma_semaphore, #tpu.memory_space<semaphore_mem>> -> memref<!tpu.dma_semaphore, #tpu.memory_space<semaphore_mem>>
          %dma_wait3A_480 = arith.constant 0 : i32
          %dma_wait3A_481 = arith.constant 0 : i32
          %dma_wait3A_482 = tpu.memref_slice %run_scoped3A[%rem3A_472, %dma_wait3A_480, %dma_wait3A_481] : memref<2x64x512xi32, #tpu.memory_space<vmem>> -> memref<1x64x512xi32, #tpu.memory_space<vmem>>
          %dma_wait3A_483 = tpu.memref_squeeze %dma_wait3A_482 : memref<1x64x512xi32, #tpu.memory_space<vmem>> -> memref<64x512xi32, #tpu.memory_space<vmem>>
          %dma_wait3A_484 = arith.constant 0 : i32
          %dma_wait3A_485 = tpu.memref_slice %arg2[%mul3A_470, %dma_wait3A_484] : memref<2048x512xi32, #tpu.memory_space<hbm>> -> memref<64x512xi32, #tpu.memory_space<hbm>>
          tpu.wait_dma2 semaphore(%dma_wait3A_479 : memref<!tpu.dma_semaphore, #tpu.memory_space<semaphore_mem>>) src(%dma_wait3A_485 : memref<64x512xi32, #tpu.memory_space<hbm>>) dst(%dma_wait3A_483 : memref<64x512xi32, #tpu.memory_space<vmem>>)
          "tpu.trace_stop"() : () -> ()
        } else {
        }
        %ne3A_276 = arith.cmpi ne, %add3A_146, %add3A_155 : i32
        %or3A_277 = arith.constant false
        %or3A_278 = arith.ori %or3A_277, %ne3A_276 : i1
        %or3A_279 = arith.ori %or3A_278, %eq3A_143 : i1
        %convert_element_type3A_280 = arith.extui %or3A_279 : i1 to i32
        %cond3A_281 = arith.constant 0 : i32
        %cond3A_282 = arith.cmpi ne, %convert_element_type3A_280, %cond3A_281 : i32
        scf.if %cond3A_282 {
          "tpu.trace_start"() <{level = 10 : i32, message = "ep_wait_in"}> : () -> ()
          %mul3A_453 = arith.constant 64 : i32
          %mul3A_454 = arith.muli %mul3A_453, %add3A_146 : i32
          %rem3A_455 = arith.constant 2 : i32
          %rem3A_456 = arith.remui %scan3A_140, %rem3A_455 : i32
          %mul3A_457 = arith.constant 64 : i32
          %mul3A_458 = arith.muli %rem3A_456, %mul3A_457 : i32
          %add3A_459 = arith.constant 0 : i32
          %add3A_460 = arith.addi %mul3A_458, %add3A_459 : i32
          %dma_wait3A = tpu.memref_slice %run_scoped3A_8[%add3A_460] : memref<128xi32, #tpu.memory_space<vmem>> -> memref<64xi32, #tpu.memory_space<vmem>>
          %dma_wait3A_461 = tpu.memref_slice %arg3[%mul3A_454] : memref<4096xi32, #tpu.memory_space<hbm>> -> memref<64xi32, #tpu.memory_space<hbm>>
          %dma_wait3A_462 = tpu.memref_slice %run_scoped3A_9[%rem3A_456] : memref<2x!tpu.dma_semaphore, #tpu.memory_space<semaphore_mem>> -> memref<1x!tpu.dma_semaphore, #tpu.memory_space<semaphore_mem>>
          %dma_wait3A_463 = tpu.memref_squeeze %dma_wait3A_462 : memref<1x!tpu.dma_semaphore, #tpu.memory_space<semaphore_mem>> -> memref<!tpu.dma_semaphore, #tpu.memory_space<semaphore_mem>>
          %dma_wait3A_464 = tpu.memref_slice %run_scoped3A_8[%add3A_460] : memref<128xi32, #tpu.memory_space<vmem>> -> memref<64xi32, #tpu.memory_space<vmem>>
          %dma_wait3A_465 = tpu.memref_slice %arg3[%mul3A_454] : memref<4096xi32, #tpu.memory_space<hbm>> -> memref<64xi32, #tpu.memory_space<hbm>>
          tpu.wait_dma2 semaphore(%dma_wait3A_463 : memref<!tpu.dma_semaphore, #tpu.memory_space<semaphore_mem>>) src(%dma_wait3A_465 : memref<64xi32, #tpu.memory_space<hbm>>) dst(%dma_wait3A_464 : memref<64xi32, #tpu.memory_space<vmem>>)
          "tpu.trace_stop"() : () -> ()
        } else {
        }
        %rem3A_283 = arith.constant 2 : i32
        %rem3A_284 = arith.remui %scan3A_138, %rem3A_283 : i32
        %rem3A_285 = arith.constant 2 : i32
        %rem3A_286 = arith.remui %scan3A_140, %rem3A_285 : i32
        %mul3A_287 = arith.constant 64 : i32
        %mul3A_288 = arith.muli %rem3A_286, %mul3A_287 : i32
        "tpu.trace_start"() <{level = 10 : i32, message = "ep_run_kernel"}> : () -> ()
        "tpu.region"() ({
          %run_scoped3A_453 = tpu.sem_alloc : memref<!tpu.dma_semaphore, #tpu.memory_space<semaphore_mem>>
          %dma_start3A_454 = arith.constant 0 : i32
          %dma_start3A_455 = arith.constant 0 : i32
          %dma_start3A_456 = tpu.memref_slice %run_scoped3A[%rem3A_284, %dma_start3A_454, %dma_start3A_455] : memref<2x64x512xi32, #tpu.memory_space<vmem>> -> memref<1x64x512xi32, #tpu.memory_space<vmem>>
          %dma_start3A_457 = tpu.memref_squeeze %dma_start3A_456 : memref<1x64x512xi32, #tpu.memory_space<vmem>> -> memref<64x512xi32, #tpu.memory_space<vmem>>
          %dma_start3A_458 = tpu.memref_slice %run_scoped3A_8[%mul3A_288] : memref<128xi32, #tpu.memory_space<vmem>> -> memref<64xi32, #tpu.memory_space<vmem>>
          %dma_start3A_459 = arith.constant 0 : i32
          %dma_start3A_460 = arith.constant 0 : i32
          %dma_start3A_461 = tpu.memref_slice %arg4[%dma_start3A_459, %dma_start3A_460] : memref<6144x512xi32, #tpu.memory_space<hbm>> -> memref<6144x512xi32, #tpu.memory_space<hbm>>
          tpu.enqueue_indirect_dma source(%dma_start3A_457 : memref<64x512xi32, #tpu.memory_space<vmem>>) target(%dma_start3A_461 : memref<6144x512xi32, #tpu.memory_space<hbm>>) offsets(%dma_start3A_458 : memref<64xi32, #tpu.memory_space<vmem>>) semaphore(%run_scoped3A_453 : memref<!tpu.dma_semaphore, #tpu.memory_space<semaphore_mem>>)
          %dma_wait3A = arith.constant 0 : i32
          %dma_wait3A_462 = arith.constant 0 : i32
          %dma_wait3A_463 = tpu.memref_slice %run_scoped3A[%rem3A_284, %dma_wait3A, %dma_wait3A_462] : memref<2x64x512xi32, #tpu.memory_space<vmem>> -> memref<1x64x512xi32, #tpu.memory_space<vmem>>
          %dma_wait3A_464 = tpu.memref_squeeze %dma_wait3A_463 : memref<1x64x512xi32, #tpu.memory_space<vmem>> -> memref<64x512xi32, #tpu.memory_space<vmem>>
          %dma_wait3A_465 = tpu.memref_slice %run_scoped3A_8[%mul3A_288] : memref<128xi32, #tpu.memory_space<vmem>> -> memref<64xi32, #tpu.memory_space<vmem>>
          %dma_wait3A_466 = arith.constant 0 : i32
          %dma_wait3A_467 = arith.constant 0 : i32
          %dma_wait3A_468 = tpu.memref_slice %arg4[%dma_wait3A_466, %dma_wait3A_467] : memref<6144x512xi32, #tpu.memory_space<hbm>> -> memref<6144x512xi32, #tpu.memory_space<hbm>>
          tpu.wait_indirect_dma semaphore(%run_scoped3A_453 : memref<!tpu.dma_semaphore, #tpu.memory_space<semaphore_mem>>) src(%dma_wait3A_464 : memref<64x512xi32, #tpu.memory_space<vmem>>) dst(%dma_wait3A_468 : memref<6144x512xi32, #tpu.memory_space<hbm>>)
          tpu.yield
        }) : () -> ()
        %jit3A_289 = arith.constant 32 : i32
        "tpu.trace_stop"() : () -> ()
        %eq3A_290 = arith.constant 0 : i32
        %eq3A_291 = arith.cmpi eq, %jit3A_289, %eq3A_290 : i32
        %jit3A_292 = arith.constant 1 : i32
        %select_n3A_293 = arith.select %eq3A_291, %jit3A_292, %jit3A_289 : i32
        %rem3A_294 = arith.remsi %add3A_146, %select_n3A_293 : i32
        %ne3A_295 = arith.constant 0 : i32
        %ne3A_296 = arith.cmpi ne, %rem3A_294, %ne3A_295 : i32
        %lt3A_297 = arith.constant 0 : i32
        %lt3A_298 = arith.cmpi slt, %rem3A_294, %lt3A_297 : i32
        %lt3A_299 = arith.constant 0 : i32
        %lt3A_300 = arith.cmpi slt, %select_n3A_293, %lt3A_299 : i32
        %ne3A_301 = arith.xori %lt3A_298, %lt3A_300 : i1
        %and3A_302 = arith.andi %ne3A_301, %ne3A_296 : i1
        %add3A_303 = arith.addi %rem3A_294, %select_n3A_293 : i32
        %select_n3A_304 = arith.select %and3A_302, %add3A_303, %rem3A_294 : i32
        %jit3A_305 = arith.constant 32 : i32
        %eq3A_306 = arith.constant 0 : i32
        %eq3A_307 = arith.cmpi eq, %jit3A_305, %eq3A_306 : i32
        %jit3A_308 = arith.constant 1 : i32
        %select_n3A_309 = arith.select %eq3A_307, %jit3A_308, %jit3A_305 : i32
        %rem3A_310 = arith.remsi %add3A_164, %select_n3A_309 : i32
        %ne3A_311 = arith.constant 0 : i32
        %ne3A_312 = arith.cmpi ne, %rem3A_310, %ne3A_311 : i32
        %lt3A_313 = arith.constant 0 : i32
        %lt3A_314 = arith.cmpi slt, %rem3A_310, %lt3A_313 : i32
        %lt3A_315 = arith.constant 0 : i32
        %lt3A_316 = arith.cmpi slt, %select_n3A_309, %lt3A_315 : i32
        %ne3A_317 = arith.xori %lt3A_314, %lt3A_316 : i1
        %and3A_318 = arith.andi %ne3A_317, %ne3A_312 : i1
        %add3A_319 = arith.addi %rem3A_310, %select_n3A_309 : i32
        %select_n3A_320 = arith.select %and3A_318, %add3A_319, %rem3A_310 : i32
        %ne3A_321 = arith.cmpi ne, %select_n3A_304, %select_n3A_320 : i32
        %or3A_322 = arith.constant false
        %or3A_323 = arith.ori %or3A_322, %ne3A_321 : i1
        %or3A_324 = arith.constant false
        %or3A_325 = arith.ori %or3A_323, %or3A_324 : i1
        %or3A_326 = arith.ori %or3A_325, %eq3A_145 : i1
        %convert_element_type3A_327 = arith.extui %or3A_326 : i1 to i32
        %cond3A_328 = arith.constant 0 : i32
        %cond3A_329 = arith.cmpi ne, %convert_element_type3A_327, %cond3A_328 : i32
        scf.if %cond3A_329 {
        } else {
        }
        %and3A_330 = arith.constant false
        %and3A_331 = arith.andi %or3A_326, %and3A_330 : i1
        %ne3A_332 = arith.cmpi ne, %add3A_146, %add3A_164 : i32
        %or3A_333 = arith.constant false
        %or3A_334 = arith.ori %or3A_333, %ne3A_332 : i1
        %or3A_335 = arith.ori %or3A_334, %eq3A_145 : i1
        %convert_element_type3A_336 = arith.extui %or3A_335 : i1 to i32
        %cond3A_337 = arith.constant 0 : i32
        %cond3A_338 = arith.cmpi ne, %convert_element_type3A_336, %cond3A_337 : i32
        scf.if %cond3A_338 {
        } else {
        }
        %and3A_339 = arith.constant false
        %and3A_340 = arith.andi %or3A_335, %and3A_339 : i1
        %jit3A_341 = arith.constant 32 : i32
        %eq3A_342 = arith.constant 0 : i32
        %eq3A_343 = arith.cmpi eq, %jit3A_341, %eq3A_342 : i32
        %jit3A_344 = arith.constant 1 : i32
        %select_n3A_345 = arith.select %eq3A_343, %jit3A_344, %jit3A_341 : i32
        %rem3A_346 = arith.remsi %add3A_146, %select_n3A_345 : i32
        %ne3A_347 = arith.constant 0 : i32
        %ne3A_348 = arith.cmpi ne, %rem3A_346, %ne3A_347 : i32
        %lt3A_349 = arith.constant 0 : i32
        %lt3A_350 = arith.cmpi slt, %rem3A_346, %lt3A_349 : i32
        %lt3A_351 = arith.constant 0 : i32
        %lt3A_352 = arith.cmpi slt, %select_n3A_345, %lt3A_351 : i32
        %ne3A_353 = arith.xori %lt3A_350, %lt3A_352 : i1
        %and3A_354 = arith.andi %ne3A_353, %ne3A_348 : i1
        %add3A_355 = arith.addi %rem3A_346, %select_n3A_345 : i32
        %select_n3A_356 = arith.select %and3A_354, %add3A_355, %rem3A_346 : i32
        %jit3A_357 = arith.constant 32 : i32
        %eq3A_358 = arith.constant 0 : i32
        %eq3A_359 = arith.cmpi eq, %jit3A_357, %eq3A_358 : i32
        %jit3A_360 = arith.constant 1 : i32
        %select_n3A_361 = arith.select %eq3A_359, %jit3A_360, %jit3A_357 : i32
        %rem3A_362 = arith.remsi %add3A_155, %select_n3A_361 : i32
        %ne3A_363 = arith.constant 0 : i32
        %ne3A_364 = arith.cmpi ne, %rem3A_362, %ne3A_363 : i32
        %lt3A_365 = arith.constant 0 : i32
        %lt3A_366 = arith.cmpi slt, %rem3A_362, %lt3A_365 : i32
        %lt3A_367 = arith.constant 0 : i32
        %lt3A_368 = arith.cmpi slt, %select_n3A_361, %lt3A_367 : i32
        %ne3A_369 = arith.xori %lt3A_366, %lt3A_368 : i1
        %and3A_370 = arith.andi %ne3A_369, %ne3A_364 : i1
        %add3A_371 = arith.addi %rem3A_362, %select_n3A_361 : i32
        %select_n3A_372 = arith.select %and3A_370, %add3A_371, %rem3A_362 : i32
        %ne3A_373 = arith.cmpi ne, %select_n3A_356, %select_n3A_372 : i32
        %or3A_374 = arith.constant false
        %or3A_375 = arith.ori %or3A_374, %ne3A_373 : i1
        %or3A_376 = arith.constant false
        %or3A_377 = arith.ori %or3A_375, %or3A_376 : i1
        %not3A_378 = arith.constant true
        %not3A_379 = arith.xori %eq3A_143, %not3A_378 : i1
        %and3A_380 = arith.andi %or3A_377, %not3A_379 : i1
        %convert_element_type3A_381 = arith.extui %and3A_380 : i1 to i32
        %cond3A_382 = arith.constant 0 : i32
        %cond3A_383 = arith.cmpi ne, %convert_element_type3A_381, %cond3A_382 : i32
        scf.if %cond3A_383 {
        } else {
        }
        %and3A_384 = arith.constant false
        %and3A_385 = arith.andi %and3A_380, %and3A_384 : i1
        %ne3A_386 = arith.cmpi ne, %add3A_146, %add3A_155 : i32
        %or3A_387 = arith.constant false
        %or3A_388 = arith.ori %or3A_387, %ne3A_386 : i1
        %not3A_389 = arith.constant true
        %not3A_390 = arith.xori %eq3A_143, %not3A_389 : i1
        %and3A_391 = arith.andi %or3A_388, %not3A_390 : i1
        %convert_element_type3A_392 = arith.extui %and3A_391 : i1 to i32
        %cond3A_393 = arith.constant 0 : i32
        %cond3A_394 = arith.cmpi ne, %convert_element_type3A_392, %cond3A_393 : i32
        scf.if %cond3A_394 {
        } else {
        }
        %and3A_395 = arith.constant false
        %and3A_396 = arith.andi %and3A_391, %and3A_395 : i1
        %jit3A_397 = arith.constant 32 : i32
        %eq3A_398 = arith.constant 0 : i32
        %eq3A_399 = arith.cmpi eq, %jit3A_397, %eq3A_398 : i32
        %jit3A_400 = arith.constant 1 : i32
        %select_n3A_401 = arith.select %eq3A_399, %jit3A_400, %jit3A_397 : i32
        %rem3A_402 = arith.remsi %add3A_146, %select_n3A_401 : i32
        %ne3A_403 = arith.constant 0 : i32
        %ne3A_404 = arith.cmpi ne, %rem3A_402, %ne3A_403 : i32
        %lt3A_405 = arith.constant 0 : i32
        %lt3A_406 = arith.cmpi slt, %rem3A_402, %lt3A_405 : i32
        %lt3A_407 = arith.constant 0 : i32
        %lt3A_408 = arith.cmpi slt, %select_n3A_401, %lt3A_407 : i32
        %ne3A_409 = arith.xori %lt3A_406, %lt3A_408 : i1
        %and3A_410 = arith.andi %ne3A_409, %ne3A_404 : i1
        %add3A_411 = arith.addi %rem3A_402, %select_n3A_401 : i32
        %select_n3A_412 = arith.select %and3A_410, %add3A_411, %rem3A_402 : i32
        %jit3A_413 = arith.constant 32 : i32
        %eq3A_414 = arith.constant 0 : i32
        %eq3A_415 = arith.cmpi eq, %jit3A_413, %eq3A_414 : i32
        %jit3A_416 = arith.constant 1 : i32
        %select_n3A_417 = arith.select %eq3A_415, %jit3A_416, %jit3A_413 : i32
        %rem3A_418 = arith.remsi %add3A_164, %select_n3A_417 : i32
        %ne3A_419 = arith.constant 0 : i32
        %ne3A_420 = arith.cmpi ne, %rem3A_418, %ne3A_419 : i32
        %lt3A_421 = arith.constant 0 : i32
        %lt3A_422 = arith.cmpi slt, %rem3A_418, %lt3A_421 : i32
        %lt3A_423 = arith.constant 0 : i32
        %lt3A_424 = arith.cmpi slt, %select_n3A_417, %lt3A_423 : i32
        %ne3A_425 = arith.xori %lt3A_422, %lt3A_424 : i1
        %and3A_426 = arith.andi %ne3A_425, %ne3A_420 : i1
        %add3A_427 = arith.addi %rem3A_418, %select_n3A_417 : i32
        %select_n3A_428 = arith.select %and3A_426, %add3A_427, %rem3A_418 : i32
        %ne3A_429 = arith.cmpi ne, %select_n3A_412, %select_n3A_428 : i32
        %or3A_430 = arith.constant false
        %or3A_431 = arith.ori %or3A_430, %ne3A_429 : i1
        %or3A_432 = arith.constant false
        %or3A_433 = arith.ori %or3A_431, %or3A_432 : i1
        %or3A_434 = arith.ori %or3A_433, %eq3A_145 : i1
        %add3A_435 = arith.constant 1 : i32
        %add3A_436 = arith.addi %scan3A_138, %add3A_435 : i32
        %select_n3A_437 = arith.select %or3A_434, %add3A_436, %scan3A_138 : i32
        %ne3A_438 = arith.cmpi ne, %add3A_146, %add3A_164 : i32
        %or3A_439 = arith.constant false
        %or3A_440 = arith.ori %or3A_439, %ne3A_438 : i1
        %or3A_441 = arith.ori %or3A_440, %eq3A_145 : i1
        %add3A_442 = arith.constant 1 : i32
        %add3A_443 = arith.addi %scan3A_140, %add3A_442 : i32
        %select_n3A_444 = arith.select %or3A_441, %add3A_443, %scan3A_140 : i32
        %add3A_445 = arith.constant 1 : i32
        %add3A_446 = arith.addi %scan3A_141, %add3A_445 : i32
        %select_n3A_447 = arith.constant true
        %select_n3A_448 = arith.select %select_n3A_447, %add3A_446, %scan3A_141 : i32
        %eq3A_449 = arith.constant 2 : i32
        %eq3A_450 = arith.cmpi eq, %select_n3A_448, %eq3A_449 : i32
        %select_n3A_451 = arith.constant 0 : i32
        %select_n3A_452 = arith.select %eq3A_450, %select_n3A_451, %select_n3A_448 : i32
        scf.yield %select_n3A_218, %select_n3A_437, %select_n3A_234, %select_n3A_444, %select_n3A_452 : i32, i32, i32, i32, i32
      }
      %scan3A_100 = arith.constant 2 : i32
      %sub3A = arith.constant 1 : i32
      %sub3A_101 = arith.subi %scan3A_99#4, %sub3A : i32
      %select_n3A_102 = arith.constant true
      %select_n3A_103 = arith.select %select_n3A_102, %sub3A_101, %scan3A_99#4 : i32
      %eq3A_104 = arith.constant -1 : i32
      %eq3A_105 = arith.cmpi eq, %select_n3A_103, %eq3A_104 : i32
      %select_n3A_106 = arith.constant 1 : i32
      %select_n3A_107 = arith.select %eq3A_105, %select_n3A_106, %select_n3A_103 : i32
      %add3A_108 = arith.addi %select_n3A_107, %mul3A_6 : i32
      %sub3A_109 = arith.constant 1 : i32
      %sub3A_110 = arith.subi %select_n3A_107, %sub3A_109 : i32
      %select_n3A_111 = arith.constant true
      %select_n3A_112 = arith.select %select_n3A_111, %sub3A_110, %select_n3A_107 : i32
      %eq3A_113 = arith.constant -1 : i32
      %eq3A_114 = arith.cmpi eq, %select_n3A_112, %eq3A_113 : i32
      %select_n3A_115 = arith.constant 1 : i32
      %select_n3A_116 = arith.select %eq3A_114, %select_n3A_115, %select_n3A_112 : i32
      %add3A_117 = arith.addi %select_n3A_116, %mul3A_6 : i32
      %add3A_118 = arith.constant 1 : i32
      %add3A_119 = arith.addi %select_n3A_107, %add3A_118 : i32
      %select_n3A_120 = arith.constant true
      %select_n3A_121 = arith.select %select_n3A_120, %add3A_119, %select_n3A_107 : i32
      %eq3A_122 = arith.constant 2 : i32
      %eq3A_123 = arith.cmpi eq, %select_n3A_121, %eq3A_122 : i32
      %select_n3A_124 = arith.constant 0 : i32
      %select_n3A_125 = arith.select %eq3A_123, %select_n3A_124, %select_n3A_121 : i32
      %add3A_126 = arith.addi %select_n3A_125, %mul3A_6 : i32
      %add3A_127 = arith.constant 1 : i32
      %add3A_128 = arith.addi %select_n3A_125, %add3A_127 : i32
      %select_n3A_129 = arith.constant true
      %select_n3A_130 = arith.select %select_n3A_129, %add3A_128, %select_n3A_125 : i32
      %eq3A_131 = arith.constant 2 : i32
      %eq3A_132 = arith.cmpi eq, %select_n3A_130, %eq3A_131 : i32
      %select_n3A_133 = arith.constant 0 : i32
      %select_n3A_134 = arith.select %eq3A_132, %select_n3A_133, %select_n3A_130 : i32
      %add3A_135 = arith.addi %select_n3A_134, %mul3A_6 : i32
      tpu.yield
    }) : () -> ()
    return
  }
}

module attributes {stable_mosaic.version = 14 : i64} {
  func.func @_router_body(%arg0: memref<2048x256xbf16, #tpu.memory_space<vmem>>, %arg1: memref<8x256xbf16, #tpu.memory_space<vmem>>, %arg2: memref<1x8xf32, #tpu.memory_space<vmem>>, %arg3: memref<2x2048xi32, #tpu.memory_space<vmem>>, %arg4: memref<2048x1xf32, #tpu.memory_space<vmem>>, %arg5: memref<2048x1xf32, #tpu.memory_space<vmem>>, %arg6: memref<1x24xi32, #tpu.memory_space<vmem>>, %arg7: memref<1x1xi32, #tpu.memory_space<vmem>>, %arg8: memref<1x1xf32, #tpu.memory_space<vmem>>) attributes {dimension_semantics = [], scalar_prefetch = 0 : i64, scratch_operands = 0 : i64, tpu.core_type = #tpu.core_type<tc>} {
    %get3A = arith.constant 0 : index
    %get3A_0 = arith.constant 0 : index
    %get3A_1 = vector.load %arg0[%get3A, %get3A_0] : memref<2048x256xbf16, #tpu.memory_space<vmem>>, vector<2048x256xbf16>
    %get3A_2 = arith.constant 0 : index
    %get3A_3 = arith.constant 0 : index
    %get3A_4 = vector.load %arg1[%get3A_2, %get3A_3] : memref<8x256xbf16, #tpu.memory_space<vmem>>, vector<8x256xbf16>
    %dot_general3A = arith.constant dense<0.000000e+00> : vector<2048x8xf32>
    %dot_general3A_5 = tpu.matmul %get3A_1, %get3A_4, %dot_general3A {dimension_numbers = #tpu.dot_dimension_numbers<[1], [1], [0], [0], [0, 0, 1, 0], [], []>, transpose_lhs_hint = false} : vector<2048x256xbf16>, vector<8x256xbf16>, vector<2048x8xf32> -> vector<2048x8xf32>
    %get3A_6 = arith.constant 0 : index
    %get3A_7 = arith.constant 0 : index
    %get3A_8 = vector.load %arg2[%get3A_6, %get3A_7] : memref<1x8xf32, #tpu.memory_space<vmem>>, vector<1x8xf32>
    %add3A = vector.broadcast %get3A_8 : vector<1x8xf32> to vector<2048x8xf32>
    %add3A_9 = arith.addf %dot_general3A_5, %add3A : vector<2048x8xf32>
    %reduce_max3A = arith.constant dense<0xFF800000> : vector<2048xf32>
    %reduce_max3A_10 = vector.multi_reduction <maximumf>, %add3A_9, %reduce_max3A [1] : vector<2048x8xf32> to vector<2048xf32>
    %broadcast_in_dim3A = vector.shape_cast %reduce_max3A_10 : vector<2048xf32> to vector<2048x1xf32>
    %sub3A = vector.broadcast %broadcast_in_dim3A : vector<2048x1xf32> to vector<2048x8xf32>
    %sub3A_11 = arith.subf %add3A_9, %sub3A : vector<2048x8xf32>
    %exp3A = math.exp %sub3A_11 : vector<2048x8xf32>
    %reduce_sum3A = arith.constant dense<0.000000e+00> : vector<2048xf32>
    %reduce_sum3A_12 = vector.multi_reduction <add>, %exp3A, %reduce_sum3A [1] : vector<2048x8xf32> to vector<2048xf32>
    %broadcast_in_dim3A_13 = vector.shape_cast %reduce_sum3A_12 : vector<2048xf32> to vector<2048x1xf32>
    %div3A = vector.broadcast %broadcast_in_dim3A_13 : vector<2048x1xf32> to vector<2048x8xf32>
    %div3A_14 = arith.divf %exp3A, %div3A : vector<2048x8xf32>
    %iota3A = tpu.iota {dimensions = array<i32: 1>} : vector<2048x8xi32>
    %reduce_max3A_15 = arith.constant dense<0xFF800000> : vector<2048xf32>
    %reduce_max3A_16 = vector.multi_reduction <maximumf>, %div3A_14, %reduce_max3A_15 [1] : vector<2048x8xf32> to vector<2048xf32>
    %broadcast_in_dim3A_17 = vector.shape_cast %reduce_max3A_16 : vector<2048xf32> to vector<2048x1xf32>
    %ge3A = vector.broadcast %broadcast_in_dim3A_17 : vector<2048x1xf32> to vector<2048x8xf32>
    %ge3A_18 = arith.cmpf oge, %div3A_14, %ge3A : vector<2048x8xf32>
    %jit3A = arith.constant 8 : i32
    %broadcast_in_dim3A_19 = vector.broadcast %jit3A : i32 to vector<2048x8xi32>
    %select_n3A = arith.select %ge3A_18, %iota3A, %broadcast_in_dim3A_19 : vector<2048x8xi1>, vector<2048x8xi32>
    %reduce_min3A = arith.constant dense<2147483647> : vector<2048xi32>
    %reduce_min3A_20 = vector.multi_reduction <minsi>, %select_n3A, %reduce_min3A [1] : vector<2048x8xi32> to vector<2048xi32>
    %broadcast_in_dim3A_21 = vector.shape_cast %reduce_min3A_20 : vector<2048xi32> to vector<2048x1xi32>
    %eq3A = vector.broadcast %broadcast_in_dim3A_21 : vector<2048x1xi32> to vector<2048x8xi32>
    %eq3A_22 = arith.cmpi eq, %iota3A, %eq3A : vector<2048x8xi32>
    %jit3A_23 = arith.constant -1.000000e+00 : f32
    %broadcast_in_dim3A_24 = vector.broadcast %jit3A_23 : f32 to vector<2048x8xf32>
    %select_n3A_25 = arith.select %eq3A_22, %broadcast_in_dim3A_24, %div3A_14 : vector<2048x8xi1>, vector<2048x8xf32>
    %reduce_max3A_26 = arith.constant dense<0xFF800000> : vector<2048xf32>
    %reduce_max3A_27 = vector.multi_reduction <maximumf>, %select_n3A_25, %reduce_max3A_26 [1] : vector<2048x8xf32> to vector<2048xf32>
    %broadcast_in_dim3A_28 = vector.shape_cast %reduce_max3A_27 : vector<2048xf32> to vector<2048x1xf32>
    %ge3A_29 = vector.broadcast %broadcast_in_dim3A_28 : vector<2048x1xf32> to vector<2048x8xf32>
    %ge3A_30 = arith.cmpf oge, %select_n3A_25, %ge3A_29 : vector<2048x8xf32>
    %jit3A_31 = arith.constant 8 : i32
    %broadcast_in_dim3A_32 = vector.broadcast %jit3A_31 : i32 to vector<2048x8xi32>
    %select_n3A_33 = arith.select %ge3A_30, %iota3A, %broadcast_in_dim3A_32 : vector<2048x8xi1>, vector<2048x8xi32>
    %reduce_min3A_34 = arith.constant dense<2147483647> : vector<2048xi32>
    %reduce_min3A_35 = vector.multi_reduction <minsi>, %select_n3A_33, %reduce_min3A_34 [1] : vector<2048x8xi32> to vector<2048xi32>
    %broadcast_in_dim3A_36 = vector.shape_cast %reduce_min3A_35 : vector<2048xi32> to vector<2048x1xi32>
    %eq3A_37 = vector.broadcast %broadcast_in_dim3A_36 : vector<2048x1xi32> to vector<2048x8xi32>
    %eq3A_38 = arith.cmpi eq, %iota3A, %eq3A_37 : vector<2048x8xi32>
    %ge3A_39 = vector.broadcast %broadcast_in_dim3A_28 : vector<2048x1xf32> to vector<2048x8xf32>
    %ge3A_40 = arith.cmpf oge, %div3A_14, %ge3A_39 : vector<2048x8xf32>
    %convert_element_type3A = arith.extui %ge3A_40 : vector<2048x8xi1> to vector<2048x8xi32>
    %convert_element_type3A_41 = arith.sitofp %convert_element_type3A : vector<2048x8xi32> to vector<2048x8xf32>
    %add3A_42 = arith.addf %broadcast_in_dim3A_17, %broadcast_in_dim3A_28 : vector<2048x1xf32>
    %add3A_43 = arith.constant 9.99999971E-10 : f32
    %add3A_44 = vector.broadcast %add3A_43 : f32 to vector<2048x1xf32>
    %add3A_45 = arith.addf %add3A_42, %add3A_44 : vector<2048x1xf32>
    %div3A_46 = arith.divf %broadcast_in_dim3A_17, %add3A_45 : vector<2048x1xf32>
    %swap3A = arith.constant 0 : index
    %swap3A_47 = arith.constant 0 : index
    %swap3A_48 = vector.load %arg4[%swap3A, %swap3A_47] : memref<2048x1xf32, #tpu.memory_space<vmem>>, vector<2048x1xf32>
    tpu.vector_store %arg4[%swap3A, %swap3A_47], %div3A_46 {strides = array<i32>} : memref<2048x1xf32, #tpu.memory_space<vmem>>, vector<2048x1xf32>,
    %div3A_49 = arith.divf %broadcast_in_dim3A_28, %add3A_45 : vector<2048x1xf32>
    %swap3A_50 = arith.constant 0 : index
    %swap3A_51 = arith.constant 0 : index
    %swap3A_52 = vector.load %arg5[%swap3A_50, %swap3A_51] : memref<2048x1xf32, #tpu.memory_space<vmem>>, vector<2048x1xf32>
    tpu.vector_store %arg5[%swap3A_50, %swap3A_51], %div3A_49 {strides = array<i32>} : memref<2048x1xf32, #tpu.memory_space<vmem>>, vector<2048x1xf32>,
    %convert_element_type3A_53 = arith.extui %eq3A_22 : vector<2048x8xi1> to vector<2048x8xi32>
    %convert_element_type3A_54 = arith.sitofp %convert_element_type3A_53 : vector<2048x8xi32> to vector<2048x8xf32>
    %convert_element_type3A_55 = arith.extui %eq3A_38 : vector<2048x8xi1> to vector<2048x8xi32>
    %convert_element_type3A_56 = arith.sitofp %convert_element_type3A_55 : vector<2048x8xi32> to vector<2048x8xf32>
    %add3A_57 = arith.addf %convert_element_type3A_54, %convert_element_type3A_56 : vector<2048x8xf32>
    %broadcast_in_dim3A_58 = arith.constant 0.000000e+00 : f32
    %broadcast_in_dim3A_59 = vector.broadcast %broadcast_in_dim3A_58 : f32 to vector<1x8xf32>
    %slice3A = vector.extract_strided_slice %add3A_57 {offsets = [0, 0], sizes = [2047, 8], strides = [1, 1]} : vector<2048x8xf32> to vector<2047x8xf32>
    %concatenate3A = tpu.concatenate %broadcast_in_dim3A_59, %slice3A in 0 : vector<1x8xf32>, vector<2047x8xf32> -> vector<2048x8xf32>
    %add3A_60 = arith.addf %add3A_57, %concatenate3A : vector<2048x8xf32>
    %broadcast_in_dim3A_61 = arith.constant 0.000000e+00 : f32
    %broadcast_in_dim3A_62 = vector.broadcast %broadcast_in_dim3A_61 : f32 to vector<2x8xf32>
    %slice3A_63 = vector.extract_strided_slice %add3A_60 {offsets = [0, 0], sizes = [2046, 8], strides = [1, 1]} : vector<2048x8xf32> to vector<2046x8xf32>
    %concatenate3A_64 = tpu.concatenate %broadcast_in_dim3A_62, %slice3A_63 in 0 : vector<2x8xf32>, vector<2046x8xf32> -> vector<2048x8xf32>
    %add3A_65 = arith.addf %add3A_60, %concatenate3A_64 : vector<2048x8xf32>
    %broadcast_in_dim3A_66 = arith.constant 0.000000e+00 : f32
    %broadcast_in_dim3A_67 = vector.broadcast %broadcast_in_dim3A_66 : f32 to vector<4x8xf32>
    %slice3A_68 = vector.extract_strided_slice %add3A_65 {offsets = [0, 0], sizes = [2044, 8], strides = [1, 1]} : vector<2048x8xf32> to vector<2044x8xf32>
    %concatenate3A_69 = tpu.concatenate %broadcast_in_dim3A_67, %slice3A_68 in 0 : vector<4x8xf32>, vector<2044x8xf32> -> vector<2048x8xf32>
    %add3A_70 = arith.addf %add3A_65, %concatenate3A_69 : vector<2048x8xf32>
    %broadcast_in_dim3A_71 = arith.constant 0.000000e+00 : f32
    %broadcast_in_dim3A_72 = vector.broadcast %broadcast_in_dim3A_71 : f32 to vector<8x8xf32>
    %slice3A_73 = vector.extract_strided_slice %add3A_70 {offsets = [0, 0], sizes = [2040, 8], strides = [1, 1]} : vector<2048x8xf32> to vector<2040x8xf32>
    %concatenate3A_74 = tpu.concatenate %broadcast_in_dim3A_72, %slice3A_73 in 0 : vector<8x8xf32>, vector<2040x8xf32> -> vector<2048x8xf32>
    %add3A_75 = arith.addf %add3A_70, %concatenate3A_74 : vector<2048x8xf32>
    %broadcast_in_dim3A_76 = arith.constant 0.000000e+00 : f32
    %broadcast_in_dim3A_77 = vector.broadcast %broadcast_in_dim3A_76 : f32 to vector<16x8xf32>
    %slice3A_78 = vector.extract_strided_slice %add3A_75 {offsets = [0, 0], sizes = [2032, 8], strides = [1, 1]} : vector<2048x8xf32> to vector<2032x8xf32>
    %concatenate3A_79 = tpu.concatenate %broadcast_in_dim3A_77, %slice3A_78 in 0 : vector<16x8xf32>, vector<2032x8xf32> -> vector<2048x8xf32>
    %add3A_80 = arith.addf %add3A_75, %concatenate3A_79 : vector<2048x8xf32>
    %broadcast_in_dim3A_81 = arith.constant 0.000000e+00 : f32
    %broadcast_in_dim3A_82 = vector.broadcast %broadcast_in_dim3A_81 : f32 to vector<32x8xf32>
    %slice3A_83 = vector.extract_strided_slice %add3A_80 {offsets = [0, 0], sizes = [2016, 8], strides = [1, 1]} : vector<2048x8xf32> to vector<2016x8xf32>
    %concatenate3A_84 = tpu.concatenate %broadcast_in_dim3A_82, %slice3A_83 in 0 : vector<32x8xf32>, vector<2016x8xf32> -> vector<2048x8xf32>
    %add3A_85 = arith.addf %add3A_80, %concatenate3A_84 : vector<2048x8xf32>
    %broadcast_in_dim3A_86 = arith.constant 0.000000e+00 : f32
    %broadcast_in_dim3A_87 = vector.broadcast %broadcast_in_dim3A_86 : f32 to vector<64x8xf32>
    %slice3A_88 = vector.extract_strided_slice %add3A_85 {offsets = [0, 0], sizes = [1984, 8], strides = [1, 1]} : vector<2048x8xf32> to vector<1984x8xf32>
    %concatenate3A_89 = tpu.concatenate %broadcast_in_dim3A_87, %slice3A_88 in 0 : vector<64x8xf32>, vector<1984x8xf32> -> vector<2048x8xf32>
    %add3A_90 = arith.addf %add3A_85, %concatenate3A_89 : vector<2048x8xf32>
    %broadcast_in_dim3A_91 = arith.constant 0.000000e+00 : f32
    %broadcast_in_dim3A_92 = vector.broadcast %broadcast_in_dim3A_91 : f32 to vector<128x8xf32>
    %slice3A_93 = vector.extract_strided_slice %add3A_90 {offsets = [0, 0], sizes = [1920, 8], strides = [1, 1]} : vector<2048x8xf32> to vector<1920x8xf32>
    %concatenate3A_94 = tpu.concatenate %broadcast_in_dim3A_92, %slice3A_93 in 0 : vector<128x8xf32>, vector<1920x8xf32> -> vector<2048x8xf32>
    %add3A_95 = arith.addf %add3A_90, %concatenate3A_94 : vector<2048x8xf32>
    %broadcast_in_dim3A_96 = arith.constant 0.000000e+00 : f32
    %broadcast_in_dim3A_97 = vector.broadcast %broadcast_in_dim3A_96 : f32 to vector<256x8xf32>
    %slice3A_98 = vector.extract_strided_slice %add3A_95 {offsets = [0, 0], sizes = [1792, 8], strides = [1, 1]} : vector<2048x8xf32> to vector<1792x8xf32>
    %concatenate3A_99 = tpu.concatenate %broadcast_in_dim3A_97, %slice3A_98 in 0 : vector<256x8xf32>, vector<1792x8xf32> -> vector<2048x8xf32>
    %add3A_100 = arith.addf %add3A_95, %concatenate3A_99 : vector<2048x8xf32>
    %broadcast_in_dim3A_101 = arith.constant 0.000000e+00 : f32
    %broadcast_in_dim3A_102 = vector.broadcast %broadcast_in_dim3A_101 : f32 to vector<512x8xf32>
    %slice3A_103 = vector.extract_strided_slice %add3A_100 {offsets = [0, 0], sizes = [1536, 8], strides = [1, 1]} : vector<2048x8xf32> to vector<1536x8xf32>
    %concatenate3A_104 = tpu.concatenate %broadcast_in_dim3A_102, %slice3A_103 in 0 : vector<512x8xf32>, vector<1536x8xf32> -> vector<2048x8xf32>
    %add3A_105 = arith.addf %add3A_100, %concatenate3A_104 : vector<2048x8xf32>
    %broadcast_in_dim3A_106 = arith.constant 0.000000e+00 : f32
    %broadcast_in_dim3A_107 = vector.broadcast %broadcast_in_dim3A_106 : f32 to vector<1024x8xf32>
    %slice3A_108 = vector.extract_strided_slice %add3A_105 {offsets = [0, 0], sizes = [1024, 8], strides = [1, 1]} : vector<2048x8xf32> to vector<1024x8xf32>
    %concatenate3A_109 = tpu.concatenate %broadcast_in_dim3A_107, %slice3A_108 in 0 : vector<1024x8xf32>, vector<1024x8xf32> -> vector<2048x8xf32>
    %add3A_110 = arith.addf %add3A_105, %concatenate3A_109 : vector<2048x8xf32>
    %sub3A_111 = arith.subf %add3A_110, %add3A_57 : vector<2048x8xf32>
    %slice3A_112 = vector.extract_strided_slice %add3A_110 {offsets = [2047, 0], sizes = [1, 8], strides = [1, 1]} : vector<2048x8xf32> to vector<1x8xf32>
    %mul3A = arith.constant 3.906250e-03 : f32
    %mul3A_113 = vector.broadcast %mul3A : f32 to vector<1x8xf32>
    %mul3A_114 = arith.mulf %slice3A_112, %mul3A_113 : vector<1x8xf32>
    %ceil3A = math.ceil %mul3A_114 : vector<1x8xf32>
    %broadcast_in_dim3A_115 = arith.constant 0.000000e+00 : f32
    %broadcast_in_dim3A_116 = vector.broadcast %broadcast_in_dim3A_115 : f32 to vector<1x1xf32>
    %slice3A_117 = vector.extract_strided_slice %ceil3A {offsets = [0, 0], sizes = [1, 7], strides = [1, 1]} : vector<1x8xf32> to vector<1x7xf32>
    %concatenate3A_118 = tpu.concatenate %broadcast_in_dim3A_116, %slice3A_117 in 1 : vector<1x1xf32>, vector<1x7xf32> -> vector<1x8xf32>
    %add3A_119 = arith.addf %ceil3A, %concatenate3A_118 : vector<1x8xf32>
    %broadcast_in_dim3A_120 = arith.constant 0.000000e+00 : f32
    %broadcast_in_dim3A_121 = vector.broadcast %broadcast_in_dim3A_120 : f32 to vector<1x2xf32>
    %slice3A_122 = vector.extract_strided_slice %add3A_119 {offsets = [0, 0], sizes = [1, 6], strides = [1, 1]} : vector<1x8xf32> to vector<1x6xf32>
    %concatenate3A_123 = tpu.concatenate %broadcast_in_dim3A_121, %slice3A_122 in 1 : vector<1x2xf32>, vector<1x6xf32> -> vector<1x8xf32>
    %add3A_124 = arith.addf %add3A_119, %concatenate3A_123 : vector<1x8xf32>
    %broadcast_in_dim3A_125 = arith.constant 0.000000e+00 : f32
    %broadcast_in_dim3A_126 = vector.broadcast %broadcast_in_dim3A_125 : f32 to vector<1x4xf32>
    %slice3A_127 = vector.extract_strided_slice %add3A_124 {offsets = [0, 0], sizes = [1, 4], strides = [1, 1]} : vector<1x8xf32> to vector<1x4xf32>
    %concatenate3A_128 = tpu.concatenate %broadcast_in_dim3A_126, %slice3A_127 in 1 : vector<1x4xf32>, vector<1x4xf32> -> vector<1x8xf32>
    %add3A_129 = arith.addf %add3A_124, %concatenate3A_128 : vector<1x8xf32>
    %sub3A_130 = arith.subf %add3A_129, %ceil3A : vector<1x8xf32>
    %mul3A_131 = arith.constant 2.560000e+02 : f32
    %mul3A_132 = vector.broadcast %mul3A_131 : f32 to vector<1x8xf32>
    %mul3A_133 = arith.mulf %sub3A_130, %mul3A_132 : vector<1x8xf32>
    %jit3A_134 = arith.constant 0.000000e+00 : f32
    %broadcast_in_dim3A_135 = vector.broadcast %jit3A_134 : f32 to vector<2048x8xf32>
    %select_n3A_136 = arith.select %eq3A_22, %sub3A_111, %broadcast_in_dim3A_135 : vector<2048x8xi1>, vector<2048x8xf32>
    %reduce_sum3A_137 = arith.constant dense<0.000000e+00> : vector<2048xf32>
    %reduce_sum3A_138 = vector.multi_reduction <add>, %select_n3A_136, %reduce_sum3A_137 [1] : vector<2048x8xf32> to vector<2048xf32>
    %broadcast_in_dim3A_139 = vector.shape_cast %reduce_sum3A_138 : vector<2048xf32> to vector<2048x1xf32>
    %jit3A_140 = arith.constant 0.000000e+00 : f32
    %broadcast_in_dim3A_141 = vector.broadcast %jit3A_140 : f32 to vector<2048x8xf32>
    %select_n3A_142 = arith.select %eq3A_38, %sub3A_111, %broadcast_in_dim3A_141 : vector<2048x8xi1>, vector<2048x8xf32>
    %reduce_sum3A_143 = arith.constant dense<0.000000e+00> : vector<2048xf32>
    %reduce_sum3A_144 = vector.multi_reduction <add>, %select_n3A_142, %reduce_sum3A_143 [1] : vector<2048x8xf32> to vector<2048xf32>
    %broadcast_in_dim3A_145 = vector.shape_cast %reduce_sum3A_144 : vector<2048xf32> to vector<2048x1xf32>
    %jit3A_146 = arith.constant 0.000000e+00 : f32
    %broadcast_in_dim3A_147 = vector.shape_cast %mul3A_133 : vector<1x8xf32> to vector<1x8xf32>
    %broadcast_in_dim3A_148 = vector.broadcast %broadcast_in_dim3A_147 : vector<1x8xf32> to vector<2048x8xf32>
    %broadcast_in_dim3A_149 = vector.broadcast %jit3A_146 : f32 to vector<2048x8xf32>
    %select_n3A_150 = arith.select %eq3A_22, %broadcast_in_dim3A_148, %broadcast_in_dim3A_149 : vector<2048x8xi1>, vector<2048x8xf32>
    %reduce_sum3A_151 = arith.constant dense<0.000000e+00> : vector<2048xf32>
    %reduce_sum3A_152 = vector.multi_reduction <add>, %select_n3A_150, %reduce_sum3A_151 [1] : vector<2048x8xf32> to vector<2048xf32>
    %broadcast_in_dim3A_153 = vector.shape_cast %reduce_sum3A_152 : vector<2048xf32> to vector<2048x1xf32>
    %jit3A_154 = arith.constant 0.000000e+00 : f32
    %broadcast_in_dim3A_155 = vector.shape_cast %mul3A_133 : vector<1x8xf32> to vector<1x8xf32>
    %broadcast_in_dim3A_156 = vector.broadcast %broadcast_in_dim3A_155 : vector<1x8xf32> to vector<2048x8xf32>
    %broadcast_in_dim3A_157 = vector.broadcast %jit3A_154 : f32 to vector<2048x8xf32>
    %select_n3A_158 = arith.select %eq3A_38, %broadcast_in_dim3A_156, %broadcast_in_dim3A_157 : vector<2048x8xi1>, vector<2048x8xf32>
    %reduce_sum3A_159 = arith.constant dense<0.000000e+00> : vector<2048xf32>
    %reduce_sum3A_160 = vector.multi_reduction <add>, %select_n3A_158, %reduce_sum3A_159 [1] : vector<2048x8xf32> to vector<2048xf32>
    %broadcast_in_dim3A_161 = vector.shape_cast %reduce_sum3A_160 : vector<2048xf32> to vector<2048x1xf32>
    %add3A_162 = arith.addf %broadcast_in_dim3A_153, %broadcast_in_dim3A_139 : vector<2048x1xf32>
    %add3A_163 = arith.addf %broadcast_in_dim3A_161, %broadcast_in_dim3A_145 : vector<2048x1xf32>
    %concatenate3A_164 = tpu.concatenate %add3A_162, %add3A_163 in 1 : vector<2048x1xf32>, vector<2048x1xf32> -> vector<2048x2xf32>
    %transpose3A = tpu.transpose %concatenate3A_164, [1, 0] : vector<2048x2xf32> -> vector<2x2048xf32>
    %convert_element_type3A_165 = arith.fptosi %transpose3A : vector<2x2048xf32> to vector<2x2048xi32>
    %swap3A_166 = arith.constant 0 : index
    %swap3A_167 = arith.constant 0 : index
    %swap3A_168 = vector.load %arg3[%swap3A_166, %swap3A_167] : memref<2x2048xi32, #tpu.memory_space<vmem>>, vector<2x2048xi32>
    tpu.vector_store %arg3[%swap3A_166, %swap3A_167], %convert_element_type3A_165 {strides = array<i32>} : memref<2x2048xi32, #tpu.memory_space<vmem>>, vector<2x2048xi32>,
    %iota3A_169 = tpu.iota {dimensions = array<i32: 1>} : vector<1x24xi32>
    %convert_element_type3A_170 = arith.sitofp %iota3A_169 : vector<1x24xi32> to vector<1x24xf32>
    %broadcast_in_dim3A_171 = arith.constant 0.000000e+00 : f32
    %broadcast_in_dim3A_172 = vector.broadcast %broadcast_in_dim3A_171 : f32 to vector<1x24xf32>
    %slice3A_173 = vector.extract_strided_slice %add3A_129 {offsets = [0, 0], sizes = [1, 1], strides = [1, 1]} : vector<1x8xf32> to vector<1x1xf32>
    %ge3A_174 = vector.broadcast %slice3A_173 : vector<1x1xf32> to vector<1x24xf32>
    %ge3A_175 = arith.cmpf oge, %convert_element_type3A_170, %ge3A_174 : vector<1x24xf32>
    %convert_element_type3A_176 = arith.extui %ge3A_175 : vector<1x24xi1> to vector<1x24xi32>
    %convert_element_type3A_177 = arith.sitofp %convert_element_type3A_176 : vector<1x24xi32> to vector<1x24xf32>
    %add3A_178 = arith.addf %broadcast_in_dim3A_172, %convert_element_type3A_177 : vector<1x24xf32>
    %slice3A_179 = vector.extract_strided_slice %add3A_129 {offsets = [0, 1], sizes = [1, 1], strides = [1, 1]} : vector<1x8xf32> to vector<1x1xf32>
    %ge3A_180 = vector.broadcast %slice3A_179 : vector<1x1xf32> to vector<1x24xf32>
    %ge3A_181 = arith.cmpf oge, %convert_element_type3A_170, %ge3A_180 : vector<1x24xf32>
    %convert_element_type3A_182 = arith.extui %ge3A_181 : vector<1x24xi1> to vector<1x24xi32>
    %convert_element_type3A_183 = arith.sitofp %convert_element_type3A_182 : vector<1x24xi32> to vector<1x24xf32>
    %add3A_184 = arith.addf %add3A_178, %convert_element_type3A_183 : vector<1x24xf32>
    %slice3A_185 = vector.extract_strided_slice %add3A_129 {offsets = [0, 2], sizes = [1, 1], strides = [1, 1]} : vector<1x8xf32> to vector<1x1xf32>
    %ge3A_186 = vector.broadcast %slice3A_185 : vector<1x1xf32> to vector<1x24xf32>
    %ge3A_187 = arith.cmpf oge, %convert_element_type3A_170, %ge3A_186 : vector<1x24xf32>
    %convert_element_type3A_188 = arith.extui %ge3A_187 : vector<1x24xi1> to vector<1x24xi32>
    %convert_element_type3A_189 = arith.sitofp %convert_element_type3A_188 : vector<1x24xi32> to vector<1x24xf32>
    %add3A_190 = arith.addf %add3A_184, %convert_element_type3A_189 : vector<1x24xf32>
    %slice3A_191 = vector.extract_strided_slice %add3A_129 {offsets = [0, 3], sizes = [1, 1], strides = [1, 1]} : vector<1x8xf32> to vector<1x1xf32>
    %ge3A_192 = vector.broadcast %slice3A_191 : vector<1x1xf32> to vector<1x24xf32>
    %ge3A_193 = arith.cmpf oge, %convert_element_type3A_170, %ge3A_192 : vector<1x24xf32>
    %convert_element_type3A_194 = arith.extui %ge3A_193 : vector<1x24xi1> to vector<1x24xi32>
    %convert_element_type3A_195 = arith.sitofp %convert_element_type3A_194 : vector<1x24xi32> to vector<1x24xf32>
    %add3A_196 = arith.addf %add3A_190, %convert_element_type3A_195 : vector<1x24xf32>
    %slice3A_197 = vector.extract_strided_slice %add3A_129 {offsets = [0, 4], sizes = [1, 1], strides = [1, 1]} : vector<1x8xf32> to vector<1x1xf32>
    %ge3A_198 = vector.broadcast %slice3A_197 : vector<1x1xf32> to vector<1x24xf32>
    %ge3A_199 = arith.cmpf oge, %convert_element_type3A_170, %ge3A_198 : vector<1x24xf32>
    %convert_element_type3A_200 = arith.extui %ge3A_199 : vector<1x24xi1> to vector<1x24xi32>
    %convert_element_type3A_201 = arith.sitofp %convert_element_type3A_200 : vector<1x24xi32> to vector<1x24xf32>
    %add3A_202 = arith.addf %add3A_196, %convert_element_type3A_201 : vector<1x24xf32>
    %slice3A_203 = vector.extract_strided_slice %add3A_129 {offsets = [0, 5], sizes = [1, 1], strides = [1, 1]} : vector<1x8xf32> to vector<1x1xf32>
    %ge3A_204 = vector.broadcast %slice3A_203 : vector<1x1xf32> to vector<1x24xf32>
    %ge3A_205 = arith.cmpf oge, %convert_element_type3A_170, %ge3A_204 : vector<1x24xf32>
    %convert_element_type3A_206 = arith.extui %ge3A_205 : vector<1x24xi1> to vector<1x24xi32>
    %convert_element_type3A_207 = arith.sitofp %convert_element_type3A_206 : vector<1x24xi32> to vector<1x24xf32>
    %add3A_208 = arith.addf %add3A_202, %convert_element_type3A_207 : vector<1x24xf32>
    %slice3A_209 = vector.extract_strided_slice %add3A_129 {offsets = [0, 6], sizes = [1, 1], strides = [1, 1]} : vector<1x8xf32> to vector<1x1xf32>
    %ge3A_210 = vector.broadcast %slice3A_209 : vector<1x1xf32> to vector<1x24xf32>
    %ge3A_211 = arith.cmpf oge, %convert_element_type3A_170, %ge3A_210 : vector<1x24xf32>
    %convert_element_type3A_212 = arith.extui %ge3A_211 : vector<1x24xi1> to vector<1x24xi32>
    %convert_element_type3A_213 = arith.sitofp %convert_element_type3A_212 : vector<1x24xi32> to vector<1x24xf32>
    %add3A_214 = arith.addf %add3A_208, %convert_element_type3A_213 : vector<1x24xf32>
    %slice3A_215 = vector.extract_strided_slice %add3A_129 {offsets = [0, 7], sizes = [1, 1], strides = [1, 1]} : vector<1x8xf32> to vector<1x1xf32>
    %ge3A_216 = vector.broadcast %slice3A_215 : vector<1x1xf32> to vector<1x24xf32>
    %ge3A_217 = arith.cmpf oge, %convert_element_type3A_170, %ge3A_216 : vector<1x24xf32>
    %convert_element_type3A_218 = arith.extui %ge3A_217 : vector<1x24xi1> to vector<1x24xi32>
    %convert_element_type3A_219 = arith.sitofp %convert_element_type3A_218 : vector<1x24xi32> to vector<1x24xf32>
    %add3A_220 = arith.addf %add3A_214, %convert_element_type3A_219 : vector<1x24xf32>
    %min3A = arith.constant 7.000000e+00 : f32
    %min3A_221 = vector.broadcast %min3A : f32 to vector<1x24xf32>
    %min3A_222 = arith.minimumf %add3A_220, %min3A_221 : vector<1x24xf32>
    %convert_element_type3A_223 = arith.fptosi %min3A_222 : vector<1x24xf32> to vector<1x24xi32>
    %swap3A_224 = arith.constant 0 : index
    %swap3A_225 = arith.constant 0 : index
    %swap3A_226 = vector.load %arg6[%swap3A_224, %swap3A_225] : memref<1x24xi32, #tpu.memory_space<vmem>>, vector<1x24xi32>
    tpu.vector_store %arg6[%swap3A_224, %swap3A_225], %convert_element_type3A_223 {strides = array<i32>} : memref<1x24xi32, #tpu.memory_space<vmem>>, vector<1x24xi32>,
    %slice3A_227 = vector.extract_strided_slice %add3A_129 {offsets = [0, 7], sizes = [1, 1], strides = [1, 1]} : vector<1x8xf32> to vector<1x1xf32>
    %convert_element_type3A_228 = arith.fptosi %slice3A_227 : vector<1x1xf32> to vector<1x1xi32>
    %swap3A_229 = arith.constant 0 : index
    %swap3A_230 = arith.constant 0 : index
    %swap3A_231 = vector.load %arg7[%swap3A_229, %swap3A_230] : memref<1x1xi32, #tpu.memory_space<vmem>>, vector<1x1xi32>
    tpu.vector_store %arg7[%swap3A_229, %swap3A_230], %convert_element_type3A_228 {strides = array<i32>} : memref<1x1xi32, #tpu.memory_space<vmem>>, vector<1x1xi32>,
    %reduce_sum3A_232 = arith.constant dense<0.000000e+00> : vector<8xf32>
    %reduce_sum3A_233 = vector.multi_reduction <add>, %div3A_14, %reduce_sum3A_232 [0] : vector<2048x8xf32> to vector<8xf32>
    %broadcast_in_dim3A_234 = vector.shape_cast %reduce_sum3A_233 : vector<8xf32> to vector<1x8xf32>
    %reduce_sum3A_235 = arith.constant dense<0.000000e+00> : vector<8xf32>
    %reduce_sum3A_236 = vector.multi_reduction <add>, %convert_element_type3A_41, %reduce_sum3A_235 [0] : vector<2048x8xf32> to vector<8xf32>
    %broadcast_in_dim3A_237 = vector.shape_cast %reduce_sum3A_236 : vector<8xf32> to vector<1x8xf32>
    %mul3A_238 = arith.mulf %broadcast_in_dim3A_234, %broadcast_in_dim3A_237 : vector<1x8xf32>
    %reduce_sum3A_239 = vector.shape_cast %mul3A_238 : vector<1x8xf32> to vector<1x1x8xf32>
    %reduce_sum3A_240 = arith.constant dense<0.000000e+00> : vector<1xf32>
    %reduce_sum3A_241 = vector.multi_reduction <add>, %reduce_sum3A_239, %reduce_sum3A_240 [1, 2] : vector<1x1x8xf32> to vector<1xf32>
    %reduce_sum3A_242 = vector.shape_cast %reduce_sum3A_241 : vector<1xf32> to vector<1x1x1xf32>
    %reduce_sum3A_243 = vector.extract %reduce_sum3A_242[0, 0, 0] : f32 from vector<1x1x1xf32>
    %broadcast_in_dim3A_244 = vector.broadcast %reduce_sum3A_243 : f32 to vector<1x1xf32>
    %mul3A_245 = arith.constant 1.90734863E-6 : f32
    %mul3A_246 = vector.broadcast %mul3A_245 : f32 to vector<1x1xf32>
    %mul3A_247 = arith.mulf %mul3A_246, %broadcast_in_dim3A_244 : vector<1x1xf32>
    %swap3A_248 = arith.constant 0 : index
    %swap3A_249 = arith.constant 0 : index
    %swap3A_250 = vector.load %arg8[%swap3A_248, %swap3A_249] : memref<1x1xf32, #tpu.memory_space<vmem>>, vector<1x1xf32>
    tpu.vector_store %arg8[%swap3A_248, %swap3A_249], %mul3A_247 {strides = array<i32>} : memref<1x1xf32, #tpu.memory_space<vmem>>, vector<1x1xf32>,
    return
  }
}

module attributes {stable_mosaic.version = 14 : i64} {
  func.func @_dense_body(%arg0: i32, %arg1: memref<256x256xbf16, #tpu.memory_space<vmem>>, %arg2: memref<256x64xbf16, #tpu.memory_space<vmem>>, %arg3: memref<256x1024xbf16, #tpu.memory_space<vmem>>, %arg4: memref<1024x320xbf16, #tpu.memory_space<vmem>>, %arg5: memref<1024x1024xbf16, #tpu.memory_space<vmem>>, %arg6: memref<1024x320xbf16, #tpu.memory_space<vmem>>, %arg7: memref<1024x1024xbf16, #tpu.memory_space<vmem>>, %arg8: memref<1024x1024xbf16, #tpu.memory_space<vmem>>, %arg9: memref<1x1024xf32, #tpu.memory_space<vmem>>, %arg10: memref<1x1024xf32, #tpu.memory_space<vmem>>, %arg11: memref<1x1024xf32, #tpu.memory_space<vmem>>, %arg12: memref<1x1024xf32, #tpu.memory_space<vmem>>, %arg13: memref<1x1024xf32, #tpu.memory_space<vmem>>, %arg14: memref<256x512xi32, #tpu.memory_space<vmem>>) attributes {dimension_semantics = [#tpu.dimension_semantics<arbitrary>], iteration_bounds = array<i64: 8>, scalar_prefetch = 0 : i64, scratch_operands = 0 : i64, tpu.core_type = #tpu.core_type<tc>, window_params = [{transform_indices = @transform_0, window_bounds = array<i64: 256, 256>}, {transform_indices = @transform_1, window_bounds = array<i64: 256, 64>}, {transform_indices = @transform_2, window_bounds = array<i64: 256, 1024>}, {pipeline_mode = #tpu.pipeline_mode<synchronous>, transform_indices = @transform_3, window_bounds = array<i64: 1024, 320>}, {pipeline_mode = #tpu.pipeline_mode<synchronous>, transform_indices = @transform_4, window_bounds = array<i64: 1024, 1024>}, {pipeline_mode = #tpu.pipeline_mode<synchronous>, transform_indices = @transform_5, window_bounds = array<i64: 1024, 320>}, {pipeline_mode = #tpu.pipeline_mode<synchronous>, transform_indices = @transform_6, window_bounds = array<i64: 1024, 1024>}, {pipeline_mode = #tpu.pipeline_mode<synchronous>, transform_indices = @transform_7, window_bounds = array<i64: 1024, 1024>}, {pipeline_mode = #tpu.pipeline_mode<synchronous>, transform_indices = @transform_8, window_bounds = array<i64: 1, 1024>}, {pipeline_mode = #tpu.pipeline_mode<synchronous>, transform_indices = @transform_9, window_bounds = array<i64: 1, 1024>}, {pipeline_mode = #tpu.pipeline_mode<synchronous>, transform_indices = @transform_10, window_bounds = array<i64: 1, 1024>}, {pipeline_mode = #tpu.pipeline_mode<synchronous>, transform_indices = @transform_11, window_bounds = array<i64: 1, 1024>}, {pipeline_mode = #tpu.pipeline_mode<synchronous>, transform_indices = @transform_12, window_bounds = array<i64: 1, 1024>}, {transform_indices = @transform_13, window_bounds = array<i64: 256, 512>}]} {
    %get3A = arith.constant 0 : index
    %get3A_0 = arith.constant 0 : index
    %get3A_1 = vector.load %arg1[%get3A, %get3A_0] : memref<256x256xbf16, #tpu.memory_space<vmem>>, vector<256x256xbf16>
    %get3A_2 = arith.constant 0 : index
    %get3A_3 = arith.constant 0 : index
    %get3A_4 = vector.load %arg2[%get3A_2, %get3A_3] : memref<256x64xbf16, #tpu.memory_space<vmem>>, vector<256x64xbf16>
    %get3A_5 = arith.constant 0 : index
    %get3A_6 = arith.constant 0 : index
    %get3A_7 = vector.load %arg4[%get3A_5, %get3A_6] : memref<1024x320xbf16, #tpu.memory_space<vmem>>, vector<1024x256xbf16>
    %dot_general3A = arith.constant dense<0.000000e+00> : vector<256x1024xf32>
    %dot_general3A_8 = tpu.matmul %get3A_1, %get3A_7, %dot_general3A {dimension_numbers = #tpu.dot_dimension_numbers<[1], [1], [0], [0], [0, 0, 1, 0], [], []>, transpose_lhs_hint = false} : vector<256x256xbf16>, vector<1024x256xbf16>, vector<256x1024xf32> -> vector<256x1024xf32>
    %get3A_9 = arith.constant 0 : index
    %get3A_10 = arith.constant 256 : index
    %get3A_11 = vector.load %arg4[%get3A_9, %get3A_10] : memref<1024x320xbf16, #tpu.memory_space<vmem>>, vector<1024x64xbf16>
    %dot_general3A_12 = arith.constant dense<0.000000e+00> : vector<256x1024xf32>
    %dot_general3A_13 = tpu.matmul %get3A_4, %get3A_11, %dot_general3A_12 {dimension_numbers = #tpu.dot_dimension_numbers<[1], [1], [0], [0], [0, 0, 1, 0], [], []>, transpose_lhs_hint = false} : vector<256x64xbf16>, vector<1024x64xbf16>, vector<256x1024xf32> -> vector<256x1024xf32>
    %add3A = arith.addf %dot_general3A_8, %dot_general3A_13 : vector<256x1024xf32>
    %get3A_14 = arith.constant 0 : index
    %get3A_15 = arith.constant 0 : index
    %get3A_16 = vector.load %arg9[%get3A_14, %get3A_15] : memref<1x1024xf32, #tpu.memory_space<vmem>>, vector<1x1024xf32>
    %add3A_17 = vector.broadcast %get3A_16 : vector<1x1024xf32> to vector<256x1024xf32>
    %add3A_18 = arith.addf %add3A, %add3A_17 : vector<256x1024xf32>
    %logistic3A = arith.negf %add3A_18 : vector<256x1024xf32>
    %logistic3A_19 = math.exp %logistic3A : vector<256x1024xf32>
    %logistic3A_20 = arith.constant 1.000000e+00 : f32
    %logistic3A_21 = vector.broadcast %logistic3A_20 : f32 to vector<256x1024xf32>
    %logistic3A_22 = arith.addf %logistic3A_21, %logistic3A_19 : vector<256x1024xf32>
    %logistic3A_23 = arith.divf %logistic3A_21, %logistic3A_22 : vector<256x1024xf32>
    %mul3A = arith.mulf %add3A_18, %logistic3A_23 : vector<256x1024xf32>
    %convert_element_type3A = arith.truncf %mul3A : vector<256x1024xf32> to vector<256x1024xbf16>
    %get3A_24 = arith.constant 0 : index
    %get3A_25 = arith.constant 0 : index
    %get3A_26 = vector.load %arg5[%get3A_24, %get3A_25] : memref<1024x1024xbf16, #tpu.memory_space<vmem>>, vector<1024x1024xbf16>
    %dot_general3A_27 = arith.constant dense<0.000000e+00> : vector<256x1024xf32>
    %dot_general3A_28 = tpu.matmul %convert_element_type3A, %get3A_26, %dot_general3A_27 {dimension_numbers = #tpu.dot_dimension_numbers<[1], [1], [0], [0], [0, 0, 1, 0], [], []>, transpose_lhs_hint = false} : vector<256x1024xbf16>, vector<1024x1024xbf16>, vector<256x1024xf32> -> vector<256x1024xf32>
    %get3A_29 = arith.constant 0 : index
    %get3A_30 = arith.constant 0 : index
    %get3A_31 = vector.load %arg10[%get3A_29, %get3A_30] : memref<1x1024xf32, #tpu.memory_space<vmem>>, vector<1x1024xf32>
    %add3A_32 = vector.broadcast %get3A_31 : vector<1x1024xf32> to vector<256x1024xf32>
    %add3A_33 = arith.addf %dot_general3A_28, %add3A_32 : vector<256x1024xf32>
    %logistic3A_34 = arith.negf %add3A_33 : vector<256x1024xf32>
    %logistic3A_35 = math.exp %logistic3A_34 : vector<256x1024xf32>
    %logistic3A_36 = arith.constant 1.000000e+00 : f32
    %logistic3A_37 = vector.broadcast %logistic3A_36 : f32 to vector<256x1024xf32>
    %logistic3A_38 = arith.addf %logistic3A_37, %logistic3A_35 : vector<256x1024xf32>
    %logistic3A_39 = arith.divf %logistic3A_37, %logistic3A_38 : vector<256x1024xf32>
    %get3A_40 = arith.constant 0 : index
    %get3A_41 = arith.constant 0 : index
    %get3A_42 = vector.load %arg6[%get3A_40, %get3A_41] : memref<1024x320xbf16, #tpu.memory_space<vmem>>, vector<1024x256xbf16>
    %dot_general3A_43 = arith.constant dense<0.000000e+00> : vector<256x1024xf32>
    %dot_general3A_44 = tpu.matmul %get3A_1, %get3A_42, %dot_general3A_43 {dimension_numbers = #tpu.dot_dimension_numbers<[1], [1], [0], [0], [0, 0, 1, 0], [], []>, transpose_lhs_hint = false} : vector<256x256xbf16>, vector<1024x256xbf16>, vector<256x1024xf32> -> vector<256x1024xf32>
    %get3A_45 = arith.constant 0 : index
    %get3A_46 = arith.constant 256 : index
    %get3A_47 = vector.load %arg6[%get3A_45, %get3A_46] : memref<1024x320xbf16, #tpu.memory_space<vmem>>, vector<1024x64xbf16>
    %dot_general3A_48 = arith.constant dense<0.000000e+00> : vector<256x1024xf32>
    %dot_general3A_49 = tpu.matmul %get3A_4, %get3A_47, %dot_general3A_48 {dimension_numbers = #tpu.dot_dimension_numbers<[1], [1], [0], [0], [0, 0, 1, 0], [], []>, transpose_lhs_hint = false} : vector<256x64xbf16>, vector<1024x64xbf16>, vector<256x1024xf32> -> vector<256x1024xf32>
    %add3A_50 = arith.addf %dot_general3A_44, %dot_general3A_49 : vector<256x1024xf32>
    %get3A_51 = arith.constant 0 : index
    %get3A_52 = arith.constant 0 : index
    %get3A_53 = vector.load %arg11[%get3A_51, %get3A_52] : memref<1x1024xf32, #tpu.memory_space<vmem>>, vector<1x1024xf32>
    %add3A_54 = vector.broadcast %get3A_53 : vector<1x1024xf32> to vector<256x1024xf32>
    %add3A_55 = arith.addf %add3A_50, %add3A_54 : vector<256x1024xf32>
    %logistic3A_56 = arith.negf %add3A_55 : vector<256x1024xf32>
    %logistic3A_57 = math.exp %logistic3A_56 : vector<256x1024xf32>
    %logistic3A_58 = arith.constant 1.000000e+00 : f32
    %logistic3A_59 = vector.broadcast %logistic3A_58 : f32 to vector<256x1024xf32>
    %logistic3A_60 = arith.addf %logistic3A_59, %logistic3A_57 : vector<256x1024xf32>
    %logistic3A_61 = arith.divf %logistic3A_59, %logistic3A_60 : vector<256x1024xf32>
    %mul3A_62 = arith.mulf %add3A_55, %logistic3A_61 : vector<256x1024xf32>
    %convert_element_type3A_63 = arith.truncf %mul3A_62 : vector<256x1024xf32> to vector<256x1024xbf16>
    %get3A_64 = arith.constant 0 : index
    %get3A_65 = arith.constant 0 : index
    %get3A_66 = vector.load %arg7[%get3A_64, %get3A_65] : memref<1024x1024xbf16, #tpu.memory_space<vmem>>, vector<1024x1024xbf16>
    %dot_general3A_67 = arith.constant dense<0.000000e+00> : vector<256x1024xf32>
    %dot_general3A_68 = tpu.matmul %convert_element_type3A_63, %get3A_66, %dot_general3A_67 {dimension_numbers = #tpu.dot_dimension_numbers<[1], [1], [0], [0], [0, 0, 1, 0], [], []>, transpose_lhs_hint = false} : vector<256x1024xbf16>, vector<1024x1024xbf16>, vector<256x1024xf32> -> vector<256x1024xf32>
    %get3A_69 = arith.constant 0 : index
    %get3A_70 = arith.constant 0 : index
    %get3A_71 = vector.load %arg12[%get3A_69, %get3A_70] : memref<1x1024xf32, #tpu.memory_space<vmem>>, vector<1x1024xf32>
    %add3A_72 = vector.broadcast %get3A_71 : vector<1x1024xf32> to vector<256x1024xf32>
    %add3A_73 = arith.addf %dot_general3A_68, %add3A_72 : vector<256x1024xf32>
    %get3A_74 = arith.constant 0 : index
    %get3A_75 = arith.constant 0 : index
    %get3A_76 = vector.load %arg3[%get3A_74, %get3A_75] : memref<256x1024xbf16, #tpu.memory_space<vmem>>, vector<256x1024xbf16>
    %get3A_77 = arith.constant 0 : index
    %get3A_78 = arith.constant 0 : index
    %get3A_79 = vector.load %arg8[%get3A_77, %get3A_78] : memref<1024x1024xbf16, #tpu.memory_space<vmem>>, vector<1024x1024xbf16>
    %dot_general3A_80 = arith.constant dense<0.000000e+00> : vector<256x1024xf32>
    %dot_general3A_81 = tpu.matmul %get3A_76, %get3A_79, %dot_general3A_80 {dimension_numbers = #tpu.dot_dimension_numbers<[1], [1], [0], [0], [0, 0, 1, 0], [], []>, transpose_lhs_hint = false} : vector<256x1024xbf16>, vector<1024x1024xbf16>, vector<256x1024xf32> -> vector<256x1024xf32>
    %get3A_82 = arith.constant 0 : index
    %get3A_83 = arith.constant 0 : index
    %get3A_84 = vector.load %arg13[%get3A_82, %get3A_83] : memref<1x1024xf32, #tpu.memory_space<vmem>>, vector<1x1024xf32>
    %add3A_85 = vector.broadcast %get3A_84 : vector<1x1024xf32> to vector<256x1024xf32>
    %add3A_86 = arith.addf %dot_general3A_81, %add3A_85 : vector<256x1024xf32>
    %max3A = arith.constant 0.000000e+00 : f32
    %max3A_87 = vector.broadcast %max3A : f32 to vector<256x1024xf32>
    %max3A_88 = arith.maximumf %add3A_86, %max3A_87 : vector<256x1024xf32>
    %mul3A_89 = arith.mulf %logistic3A_39, %max3A_88 : vector<256x1024xf32>
    %add3A_90 = arith.addf %mul3A_89, %add3A_73 : vector<256x1024xf32>
    %slice3A = vector.extract_strided_slice %add3A_90 {offsets = [0, 0], sizes = [256, 512], strides = [1, 1]} : vector<256x1024xf32> to vector<256x512xf32>
    %convert_element_type3A_91 = arith.truncf %slice3A : vector<256x512xf32> to vector<256x512xbf16>
    %bitcast_convert_type3A = tpu.bitcast %convert_element_type3A_91 : vector<256x512xbf16> -> vector<256x512xi16>
    %slice3A_92 = vector.extract_strided_slice %add3A_90 {offsets = [0, 512], sizes = [256, 512], strides = [1, 1]} : vector<256x1024xf32> to vector<256x512xf32>
    %convert_element_type3A_93 = arith.truncf %slice3A_92 : vector<256x512xf32> to vector<256x512xbf16>
    %bitcast_convert_type3A_94 = tpu.bitcast %convert_element_type3A_93 : vector<256x512xbf16> -> vector<256x512xi16>
    %convert_element_type3A_95 = arith.extui %bitcast_convert_type3A : vector<256x512xi16> to vector<256x512xi32>
    %convert_element_type3A_96 = arith.extui %bitcast_convert_type3A_94 : vector<256x512xi16> to vector<256x512xi32>
    %shift_left3A = arith.constant 16 : i32
    %shift_left3A_97 = vector.broadcast %shift_left3A : i32 to vector<256x512xi32>
    %shift_left3A_98 = arith.shli %convert_element_type3A_96, %shift_left3A_97 : vector<256x512xi32>
    %or3A = arith.ori %convert_element_type3A_95, %shift_left3A_98 : vector<256x512xi32>
    %bitcast_convert_type3A_99 = tpu.bitcast %or3A : vector<256x512xi32> -> vector<256x512xi32>
    %swap3A = arith.constant 0 : index
    %swap3A_100 = arith.constant 0 : index
    %swap3A_101 = vector.load %arg14[%swap3A, %swap3A_100] : memref<256x512xi32, #tpu.memory_space<vmem>>, vector<256x512xi32>
    tpu.vector_store %arg14[%swap3A, %swap3A_100], %bitcast_convert_type3A_99 {strides = array<i32>} : memref<256x512xi32, #tpu.memory_space<vmem>>, vector<256x512xi32>,
    return
  }
  func.func @transform_0(%arg0: i32) -> (i32, i32) {
    %c0_i32 = arith.constant 0 : i32
    %c0_i32_0 = arith.constant 0 : i32
    return %arg0, %c0_i32 : i32, i32
  }
  func.func @transform_1(%arg0: i32) -> (i32, i32) {
    %c0_i32 = arith.constant 0 : i32
    %c0_i32_0 = arith.constant 0 : i32
    return %arg0, %c0_i32 : i32, i32
  }
  func.func @transform_2(%arg0: i32) -> (i32, i32) {
    %c0_i32 = arith.constant 0 : i32
    %c0_i32_0 = arith.constant 0 : i32
    return %arg0, %c0_i32 : i32, i32
  }
  func.func @transform_3(%arg0: i32) -> (i32, i32) {
    %c0_i32 = arith.constant 0 : i32
    %c0_i32_0 = arith.constant 0 : i32
    %c0_i32_1 = arith.constant 0 : i32
    return %c0_i32, %c0_i32_0 : i32, i32
  }
  func.func @transform_4(%arg0: i32) -> (i32, i32) {
    %c0_i32 = arith.constant 0 : i32
    %c0_i32_0 = arith.constant 0 : i32
    %c0_i32_1 = arith.constant 0 : i32
    return %c0_i32, %c0_i32_0 : i32, i32
  }
  func.func @transform_5(%arg0: i32) -> (i32, i32) {
    %c0_i32 = arith.constant 0 : i32
    %c0_i32_0 = arith.constant 0 : i32
    %c0_i32_1 = arith.constant 0 : i32
    return %c0_i32, %c0_i32_0 : i32, i32
  }
  func.func @transform_6(%arg0: i32) -> (i32, i32) {
    %c0_i32 = arith.constant 0 : i32
    %c0_i32_0 = arith.constant 0 : i32
    %c0_i32_1 = arith.constant 0 : i32
    return %c0_i32, %c0_i32_0 : i32, i32
  }
  func.func @transform_7(%arg0: i32) -> (i32, i32) {
    %c0_i32 = arith.constant 0 : i32
    %c0_i32_0 = arith.constant 0 : i32
    %c0_i32_1 = arith.constant 0 : i32
    return %c0_i32, %c0_i32_0 : i32, i32
  }
  func.func @transform_8(%arg0: i32) -> (i32, i32) {
    %c0_i32 = arith.constant 0 : i32
    %c0_i32_0 = arith.constant 0 : i32
    %c0_i32_1 = arith.constant 0 : i32
    return %c0_i32, %c0_i32_0 : i32, i32
  }
  func.func @transform_9(%arg0: i32) -> (i32, i32) {
    %c0_i32 = arith.constant 0 : i32
    %c0_i32_0 = arith.constant 0 : i32
    %c0_i32_1 = arith.constant 0 : i32
    return %c0_i32, %c0_i32_0 : i32, i32
  }
  func.func @transform_10(%arg0: i32) -> (i32, i32) {
    %c0_i32 = arith.constant 0 : i32
    %c0_i32_0 = arith.constant 0 : i32
    %c0_i32_1 = arith.constant 0 : i32
    return %c0_i32, %c0_i32_0 : i32, i32
  }
  func.func @transform_11(%arg0: i32) -> (i32, i32) {
    %c0_i32 = arith.constant 0 : i32
    %c0_i32_0 = arith.constant 0 : i32
    %c0_i32_1 = arith.constant 0 : i32
    return %c0_i32, %c0_i32_0 : i32, i32
  }
  func.func @transform_12(%arg0: i32) -> (i32, i32) {
    %c0_i32 = arith.constant 0 : i32
    %c0_i32_0 = arith.constant 0 : i32
    %c0_i32_1 = arith.constant 0 : i32
    return %c0_i32, %c0_i32_0 : i32, i32
  }
  func.func @transform_13(%arg0: i32) -> (i32, i32) {
    %c0_i32 = arith.constant 0 : i32
    %c0_i32_0 = arith.constant 0 : i32
    return %arg0, %c0_i32 : i32, i32
  }
}

module attributes {stable_mosaic.version = 14 : i64} {
  func.func @_expert_body(%arg0: i32, %arg1: memref<1x24xi32, #tpu.memory_space<smem>>, %arg2: memref<1x1xi32, #tpu.memory_space<smem>>, %arg3: memref<256x512xi32, #tpu.memory_space<vmem>>, %arg4: memref<1x1024x1024xf32, #tpu.memory_space<vmem>>, %arg5: memref<1x1x1024xf32, #tpu.memory_space<vmem>>, %arg6: memref<256x512xi32, #tpu.memory_space<vmem>>) attributes {dimension_semantics = [#tpu.dimension_semantics<arbitrary>], iteration_bounds = array<i64: 24>, scalar_prefetch = 2 : i64, scratch_operands = 0 : i64, tpu.core_type = #tpu.core_type<tc>, window_params = [{transform_indices = @transform_0, window_bounds = array<i64: 256, 512>}, {transform_indices = @transform_1, window_bounds = array<i64: 1, 1024, 1024>}, {transform_indices = @transform_2, window_bounds = array<i64: 1, 1, 1024>}, {transform_indices = @transform_3, window_bounds = array<i64: 256, 512>}]} {
    %get3A = arith.constant 0 : index
    %get3A_0 = arith.constant 0 : index
    %get3A_1 = memref.load %arg2[%get3A, %get3A_0] : memref<1x1xi32, #tpu.memory_space<smem>>
    %lt3A = arith.cmpi slt, %arg0, %get3A_1 : i32
    %convert_element_type3A = arith.extui %lt3A : i1 to i32
    %cond3A = arith.constant 0 : i32
    %cond3A_2 = arith.cmpi ne, %convert_element_type3A, %cond3A : i32
    scf.if %cond3A_2 {
      %get3A_3 = arith.constant 0 : index
      %get3A_4 = arith.constant 0 : index
      %get3A_5 = vector.load %arg3[%get3A_3, %get3A_4] : memref<256x512xi32, #tpu.memory_space<vmem>>, vector<256x512xi32>
      %bitcast_convert_type3A = tpu.bitcast %get3A_5 : vector<256x512xi32> -> vector<256x512xi32>
      %shift_left3A = arith.constant 16 : i32
      %shift_left3A_6 = vector.broadcast %shift_left3A : i32 to vector<256x512xi32>
      %shift_left3A_7 = arith.shli %bitcast_convert_type3A, %shift_left3A_6 : vector<256x512xi32>
      %bitcast_convert_type3A_8 = tpu.bitcast %shift_left3A_7 : vector<256x512xi32> -> vector<256x512xf32>
      %and3A = arith.constant -65536 : i32
      %and3A_9 = vector.broadcast %and3A : i32 to vector<256x512xi32>
      %and3A_10 = arith.andi %bitcast_convert_type3A, %and3A_9 : vector<256x512xi32>
      %bitcast_convert_type3A_11 = tpu.bitcast %and3A_10 : vector<256x512xi32> -> vector<256x512xf32>
      %concatenate3A = tpu.concatenate %bitcast_convert_type3A_8, %bitcast_convert_type3A_11 in 1 : vector<256x512xf32>, vector<256x512xf32> -> vector<256x1024xf32>
      %convert_element_type3A_12 = arith.truncf %concatenate3A : vector<256x1024xf32> to vector<256x1024xbf16>
      %get3A_13 = arith.constant 0 : index
      %get3A_14 = arith.constant 0 : index
      %get3A_15 = arith.constant 0 : index
      %get3A_16 = vector.load %arg4[%get3A_13, %get3A_14, %get3A_15] : memref<1x1024x1024xf32, #tpu.memory_space<vmem>>, vector<1x1024x1024xf32>
      %get3A_17 = vector.shape_cast %get3A_16 : vector<1x1024x1024xf32> to vector<1024x1024xf32>
      %convert_element_type3A_18 = arith.truncf %get3A_17 : vector<1024x1024xf32> to vector<1024x1024xbf16>
      %dot_general3A = arith.constant dense<0.000000e+00> : vector<256x1024xf32>
      %dot_general3A_19 = tpu.matmul %convert_element_type3A_12, %convert_element_type3A_18, %dot_general3A {dimension_numbers = #tpu.dot_dimension_numbers<[1], [1], [0], [0], [0, 0, 1, 0], [], []>, transpose_lhs_hint = false} : vector<256x1024xbf16>, vector<1024x1024xbf16>, vector<256x1024xf32> -> vector<256x1024xf32>
      %get3A_20 = arith.constant 0 : index
      %get3A_21 = arith.constant 0 : index
      %get3A_22 = arith.constant 0 : index
      %get3A_23 = vector.load %arg5[%get3A_20, %get3A_21, %get3A_22] : memref<1x1x1024xf32, #tpu.memory_space<vmem>>, vector<1x1x1024xf32>
      %get3A_24 = vector.shape_cast %get3A_23 : vector<1x1x1024xf32> to vector<1x1024xf32>
      %add3A = vector.broadcast %get3A_24 : vector<1x1024xf32> to vector<256x1024xf32>
      %add3A_25 = arith.addf %dot_general3A_19, %add3A : vector<256x1024xf32>
      %max3A = arith.constant 0.000000e+00 : f32
      %max3A_26 = vector.broadcast %max3A : f32 to vector<256x1024xf32>
      %max3A_27 = arith.maximumf %add3A_25, %max3A_26 : vector<256x1024xf32>
      %slice3A = vector.extract_strided_slice %max3A_27 {offsets = [0, 0], sizes = [256, 512], strides = [1, 1]} : vector<256x1024xf32> to vector<256x512xf32>
      %convert_element_type3A_28 = arith.truncf %slice3A : vector<256x512xf32> to vector<256x512xbf16>
      %bitcast_convert_type3A_29 = tpu.bitcast %convert_element_type3A_28 : vector<256x512xbf16> -> vector<256x512xi16>
      %slice3A_30 = vector.extract_strided_slice %max3A_27 {offsets = [0, 512], sizes = [256, 512], strides = [1, 1]} : vector<256x1024xf32> to vector<256x512xf32>
      %convert_element_type3A_31 = arith.truncf %slice3A_30 : vector<256x512xf32> to vector<256x512xbf16>
      %bitcast_convert_type3A_32 = tpu.bitcast %convert_element_type3A_31 : vector<256x512xbf16> -> vector<256x512xi16>
      %convert_element_type3A_33 = arith.extui %bitcast_convert_type3A_29 : vector<256x512xi16> to vector<256x512xi32>
      %convert_element_type3A_34 = arith.extui %bitcast_convert_type3A_32 : vector<256x512xi16> to vector<256x512xi32>
      %shift_left3A_35 = arith.constant 16 : i32
      %shift_left3A_36 = vector.broadcast %shift_left3A_35 : i32 to vector<256x512xi32>
      %shift_left3A_37 = arith.shli %convert_element_type3A_34, %shift_left3A_36 : vector<256x512xi32>
      %or3A = arith.ori %convert_element_type3A_33, %shift_left3A_37 : vector<256x512xi32>
      %bitcast_convert_type3A_38 = tpu.bitcast %or3A : vector<256x512xi32> -> vector<256x512xi32>
      %swap3A = arith.constant 0 : index
      %swap3A_39 = arith.constant 0 : index
      %swap3A_40 = vector.load %arg6[%swap3A, %swap3A_39] : memref<256x512xi32, #tpu.memory_space<vmem>>, vector<256x512xi32>
      tpu.vector_store %arg6[%swap3A, %swap3A_39], %bitcast_convert_type3A_38 {strides = array<i32>} : memref<256x512xi32, #tpu.memory_space<vmem>>, vector<256x512xi32>,
    } else {
    }
    return
  }
  func.func @transform_0(%arg0: i32, %arg1: memref<1x24xi32, #tpu.memory_space<smem>>, %arg2: memref<1x1xi32, #tpu.memory_space<smem>>) -> (i32, i32) {
    %get3A = arith.constant 0 : index
    %get3A_0 = arith.constant 0 : index
    %get3A_1 = memref.load %arg2[%get3A, %get3A_0] : memref<1x1xi32, #tpu.memory_space<smem>>
    %sub3A = arith.constant 1 : i32
    %sub3A_2 = arith.subi %get3A_1, %sub3A : i32
    %min3A = arith.minsi %arg0, %sub3A_2 : i32
    %c0_i32 = arith.constant 0 : i32
    %c0_i32_3 = arith.constant 0 : i32
    return %min3A, %c0_i32 : i32, i32
  }
  func.func @transform_1(%arg0: i32, %arg1: memref<1x24xi32, #tpu.memory_space<smem>>, %arg2: memref<1x1xi32, #tpu.memory_space<smem>>) -> (i32, i32, i32) {
    %get3A = arith.constant 0 : index
    %get3A_0 = arith.constant 0 : index
    %get3A_1 = memref.load %arg2[%get3A, %get3A_0] : memref<1x1xi32, #tpu.memory_space<smem>>
    %sub3A = arith.constant 1 : i32
    %sub3A_2 = arith.subi %get3A_1, %sub3A : i32
    %min3A = arith.minsi %arg0, %sub3A_2 : i32
    %get3A_3 = arith.constant 0 : index
    %get3A_4 = arith.index_cast %min3A : i32 to index
    %get3A_5 = memref.load %arg1[%get3A_3, %get3A_4] : memref<1x24xi32, #tpu.memory_space<smem>>
    %c0_i32 = arith.constant 0 : i32
    %c0_i32_6 = arith.constant 0 : i32
    %c0_i32_7 = arith.constant 0 : i32
    return %get3A_5, %c0_i32, %c0_i32_6 : i32, i32, i32
  }
  func.func @transform_2(%arg0: i32, %arg1: memref<1x24xi32, #tpu.memory_space<smem>>, %arg2: memref<1x1xi32, #tpu.memory_space<smem>>) -> (i32, i32, i32) {
    %get3A = arith.constant 0 : index
    %get3A_0 = arith.constant 0 : index
    %get3A_1 = memref.load %arg2[%get3A, %get3A_0] : memref<1x1xi32, #tpu.memory_space<smem>>
    %sub3A = arith.constant 1 : i32
    %sub3A_2 = arith.subi %get3A_1, %sub3A : i32
    %min3A = arith.minsi %arg0, %sub3A_2 : i32
    %get3A_3 = arith.constant 0 : index
    %get3A_4 = arith.index_cast %min3A : i32 to index
    %get3A_5 = memref.load %arg1[%get3A_3, %get3A_4] : memref<1x24xi32, #tpu.memory_space<smem>>
    %c0_i32 = arith.constant 0 : i32
    %c0_i32_6 = arith.constant 0 : i32
    %c0_i32_7 = arith.constant 0 : i32
    return %get3A_5, %c0_i32, %c0_i32_6 : i32, i32, i32
  }
  func.func @transform_3(%arg0: i32, %arg1: memref<1x24xi32, #tpu.memory_space<smem>>, %arg2: memref<1x1xi32, #tpu.memory_space<smem>>) -> (i32, i32) {
    %get3A = arith.constant 0 : index
    %get3A_0 = arith.constant 0 : index
    %get3A_1 = memref.load %arg2[%get3A, %get3A_0] : memref<1x1xi32, #tpu.memory_space<smem>>
    %sub3A = arith.constant 1 : i32
    %sub3A_2 = arith.subi %get3A_1, %sub3A : i32
    %min3A = arith.minsi %arg0, %sub3A_2 : i32
    %c0_i32 = arith.constant 0 : i32
    %c0_i32_3 = arith.constant 0 : i32
    return %min3A, %c0_i32 : i32, i32
  }
}

module attributes {stable_mosaic.version = 14 : i64} {
  func.func @_conf_body(%arg0: i32, %arg1: memref<256x64xbf16, #tpu.memory_space<vmem>>, %arg2: memref<1024x64xbf16, #tpu.memory_space<vmem>>, %arg3: memref<1024x1024xbf16, #tpu.memory_space<vmem>>, %arg4: memref<1x1024xf32, #tpu.memory_space<vmem>>, %arg5: memref<1x1024xf32, #tpu.memory_space<vmem>>, %arg6: memref<1x1024xf32, #tpu.memory_space<vmem>>, %arg7: memref<256x1024xf32, #tpu.memory_space<vmem>>) attributes {dimension_semantics = [#tpu.dimension_semantics<arbitrary>], iteration_bounds = array<i64: 8>, scalar_prefetch = 0 : i64, scratch_operands = 0 : i64, tpu.core_type = #tpu.core_type<tc>, window_params = [{transform_indices = @transform_0, window_bounds = array<i64: 256, 64>}, {pipeline_mode = #tpu.pipeline_mode<synchronous>, transform_indices = @transform_1, window_bounds = array<i64: 1024, 64>}, {pipeline_mode = #tpu.pipeline_mode<synchronous>, transform_indices = @transform_2, window_bounds = array<i64: 1024, 1024>}, {pipeline_mode = #tpu.pipeline_mode<synchronous>, transform_indices = @transform_3, window_bounds = array<i64: 1, 1024>}, {pipeline_mode = #tpu.pipeline_mode<synchronous>, transform_indices = @transform_4, window_bounds = array<i64: 1, 1024>}, {pipeline_mode = #tpu.pipeline_mode<synchronous>, transform_indices = @transform_5, window_bounds = array<i64: 1, 1024>}, {transform_indices = @transform_6, window_bounds = array<i64: 256, 1024>}]} {
    %get3A = arith.constant 0 : index
    %get3A_0 = arith.constant 0 : index
    %get3A_1 = vector.load %arg1[%get3A, %get3A_0] : memref<256x64xbf16, #tpu.memory_space<vmem>>, vector<256x64xbf16>
    %get3A_2 = arith.constant 0 : index
    %get3A_3 = arith.constant 0 : index
    %get3A_4 = vector.load %arg2[%get3A_2, %get3A_3] : memref<1024x64xbf16, #tpu.memory_space<vmem>>, vector<1024x64xbf16>
    %dot_general3A = arith.constant dense<0.000000e+00> : vector<256x1024xf32>
    %dot_general3A_5 = tpu.matmul %get3A_1, %get3A_4, %dot_general3A {dimension_numbers = #tpu.dot_dimension_numbers<[1], [1], [0], [0], [0, 0, 1, 0], [], []>, transpose_lhs_hint = false} : vector<256x64xbf16>, vector<1024x64xbf16>, vector<256x1024xf32> -> vector<256x1024xf32>
    %get3A_6 = arith.constant 0 : index
    %get3A_7 = arith.constant 0 : index
    %get3A_8 = vector.load %arg4[%get3A_6, %get3A_7] : memref<1x1024xf32, #tpu.memory_space<vmem>>, vector<1x1024xf32>
    %add3A = vector.broadcast %get3A_8 : vector<1x1024xf32> to vector<256x1024xf32>
    %add3A_9 = arith.addf %dot_general3A_5, %add3A : vector<256x1024xf32>
    %max3A = arith.constant 0.000000e+00 : f32
    %max3A_10 = vector.broadcast %max3A : f32 to vector<256x1024xf32>
    %max3A_11 = arith.maximumf %add3A_9, %max3A_10 : vector<256x1024xf32>
    %convert_element_type3A = arith.truncf %max3A_11 : vector<256x1024xf32> to vector<256x1024xbf16>
    %get3A_12 = arith.constant 0 : index
    %get3A_13 = arith.constant 0 : index
    %get3A_14 = vector.load %arg3[%get3A_12, %get3A_13] : memref<1024x1024xbf16, #tpu.memory_space<vmem>>, vector<1024x1024xbf16>
    %dot_general3A_15 = arith.constant dense<0.000000e+00> : vector<256x1024xf32>
    %dot_general3A_16 = tpu.matmul %convert_element_type3A, %get3A_14, %dot_general3A_15 {dimension_numbers = #tpu.dot_dimension_numbers<[1], [1], [0], [0], [0, 0, 1, 0], [], []>, transpose_lhs_hint = false} : vector<256x1024xbf16>, vector<1024x1024xbf16>, vector<256x1024xf32> -> vector<256x1024xf32>
    %get3A_17 = arith.constant 0 : index
    %get3A_18 = arith.constant 0 : index
    %get3A_19 = vector.load %arg5[%get3A_17, %get3A_18] : memref<1x1024xf32, #tpu.memory_space<vmem>>, vector<1x1024xf32>
    %add3A_20 = vector.broadcast %get3A_19 : vector<1x1024xf32> to vector<256x1024xf32>
    %add3A_21 = arith.addf %dot_general3A_16, %add3A_20 : vector<256x1024xf32>
    %get3A_22 = arith.constant 0 : index
    %get3A_23 = arith.constant 0 : index
    %get3A_24 = vector.load %arg6[%get3A_22, %get3A_23] : memref<1x1024xf32, #tpu.memory_space<vmem>>, vector<1x1024xf32>
    %gt3A = arith.constant 0.000000e+00 : f32
    %gt3A_25 = vector.broadcast %gt3A : f32 to vector<1x1024xf32>
    %gt3A_26 = arith.cmpf ogt, %get3A_24, %gt3A_25 : vector<1x1024xf32>
    %convert_element_type3A_27 = arith.extui %gt3A_26 : vector<1x1024xi1> to vector<1x1024xi32>
    %convert_element_type3A_28 = arith.sitofp %convert_element_type3A_27 : vector<1x1024xi32> to vector<1x1024xf32>
    %mul3A = vector.broadcast %convert_element_type3A_28 : vector<1x1024xf32> to vector<256x1024xf32>
    %mul3A_29 = arith.mulf %add3A_21, %mul3A : vector<256x1024xf32>
    %swap3A = arith.constant 0 : index
    %swap3A_30 = arith.constant 0 : index
    %swap3A_31 = vector.load %arg7[%swap3A, %swap3A_30] : memref<256x1024xf32, #tpu.memory_space<vmem>>, vector<256x1024xf32>
    tpu.vector_store %arg7[%swap3A, %swap3A_30], %mul3A_29 {strides = array<i32>} : memref<256x1024xf32, #tpu.memory_space<vmem>>, vector<256x1024xf32>,
    return
  }
  func.func @transform_0(%arg0: i32) -> (i32, i32) {
    %c0_i32 = arith.constant 0 : i32
    %c0_i32_0 = arith.constant 0 : i32
    return %arg0, %c0_i32 : i32, i32
  }
  func.func @transform_1(%arg0: i32) -> (i32, i32) {
    %c0_i32 = arith.constant 0 : i32
    %c0_i32_0 = arith.constant 0 : i32
    %c0_i32_1 = arith.constant 0 : i32
    return %c0_i32, %c0_i32_0 : i32, i32
  }
  func.func @transform_2(%arg0: i32) -> (i32, i32) {
    %c0_i32 = arith.constant 0 : i32
    %c0_i32_0 = arith.constant 0 : i32
    %c0_i32_1 = arith.constant 0 : i32
    return %c0_i32, %c0_i32_0 : i32, i32
  }
  func.func @transform_3(%arg0: i32) -> (i32, i32) {
    %c0_i32 = arith.constant 0 : i32
    %c0_i32_0 = arith.constant 0 : i32
    %c0_i32_1 = arith.constant 0 : i32
    return %c0_i32, %c0_i32_0 : i32, i32
  }
  func.func @transform_4(%arg0: i32) -> (i32, i32) {
    %c0_i32 = arith.constant 0 : i32
    %c0_i32_0 = arith.constant 0 : i32
    %c0_i32_1 = arith.constant 0 : i32
    return %c0_i32, %c0_i32_0 : i32, i32
  }
  func.func @transform_5(%arg0: i32) -> (i32, i32) {
    %c0_i32 = arith.constant 0 : i32
    %c0_i32_0 = arith.constant 0 : i32
    %c0_i32_1 = arith.constant 0 : i32
    return %c0_i32, %c0_i32_0 : i32, i32
  }
  func.func @transform_6(%arg0: i32) -> (i32, i32) {
    %c0_i32 = arith.constant 0 : i32
    %c0_i32_0 = arith.constant 0 : i32
    return %arg0, %c0_i32 : i32, i32
  }
}

module attributes {stable_mosaic.version = 14 : i64} {
  func.func @_combine_body(%arg0: i32, %arg1: memref<256x512xi32, #tpu.memory_space<vmem>>, %arg2: memref<256x512xi32, #tpu.memory_space<vmem>>, %arg3: memref<256x1xf32, #tpu.memory_space<vmem>>, %arg4: memref<256x1xf32, #tpu.memory_space<vmem>>, %arg5: memref<256x1024xf32, #tpu.memory_space<vmem>>, %arg6: memref<1x1024xf32, #tpu.memory_space<vmem>>, %arg7: memref<256x1024xf32, #tpu.memory_space<vmem>>) attributes {dimension_semantics = [#tpu.dimension_semantics<arbitrary>], iteration_bounds = array<i64: 8>, scalar_prefetch = 0 : i64, scratch_operands = 0 : i64, tpu.core_type = #tpu.core_type<tc>, window_params = [{transform_indices = @transform_0, window_bounds = array<i64: 256, 512>}, {transform_indices = @transform_1, window_bounds = array<i64: 256, 512>}, {transform_indices = @transform_2, window_bounds = array<i64: 256, 1>}, {transform_indices = @transform_3, window_bounds = array<i64: 256, 1>}, {transform_indices = @transform_4, window_bounds = array<i64: 256, 1024>}, {pipeline_mode = #tpu.pipeline_mode<synchronous>, transform_indices = @transform_5, window_bounds = array<i64: 1, 1024>}, {transform_indices = @transform_6, window_bounds = array<i64: 256, 1024>}]} {
    %get3A = arith.constant 0 : index
    %get3A_0 = arith.constant 0 : index
    %get3A_1 = vector.load %arg3[%get3A, %get3A_0] : memref<256x1xf32, #tpu.memory_space<vmem>>, vector<256x1xf32>
    %get3A_2 = arith.constant 0 : index
    %get3A_3 = arith.constant 0 : index
    %get3A_4 = vector.load %arg1[%get3A_2, %get3A_3] : memref<256x512xi32, #tpu.memory_space<vmem>>, vector<256x512xi32>
    %bitcast_convert_type3A = tpu.bitcast %get3A_4 : vector<256x512xi32> -> vector<256x512xi32>
    %shift_left3A = arith.constant 16 : i32
    %shift_left3A_5 = vector.broadcast %shift_left3A : i32 to vector<256x512xi32>
    %shift_left3A_6 = arith.shli %bitcast_convert_type3A, %shift_left3A_5 : vector<256x512xi32>
    %bitcast_convert_type3A_7 = tpu.bitcast %shift_left3A_6 : vector<256x512xi32> -> vector<256x512xf32>
    %and3A = arith.constant -65536 : i32
    %and3A_8 = vector.broadcast %and3A : i32 to vector<256x512xi32>
    %and3A_9 = arith.andi %bitcast_convert_type3A, %and3A_8 : vector<256x512xi32>
    %bitcast_convert_type3A_10 = tpu.bitcast %and3A_9 : vector<256x512xi32> -> vector<256x512xf32>
    %concatenate3A = tpu.concatenate %bitcast_convert_type3A_7, %bitcast_convert_type3A_10 in 1 : vector<256x512xf32>, vector<256x512xf32> -> vector<256x1024xf32>
    %mul3A = vector.broadcast %get3A_1 : vector<256x1xf32> to vector<256x1024xf32>
    %mul3A_11 = arith.mulf %mul3A, %concatenate3A : vector<256x1024xf32>
    %get3A_12 = arith.constant 0 : index
    %get3A_13 = arith.constant 0 : index
    %get3A_14 = vector.load %arg4[%get3A_12, %get3A_13] : memref<256x1xf32, #tpu.memory_space<vmem>>, vector<256x1xf32>
    %get3A_15 = arith.constant 0 : index
    %get3A_16 = arith.constant 0 : index
    %get3A_17 = vector.load %arg2[%get3A_15, %get3A_16] : memref<256x512xi32, #tpu.memory_space<vmem>>, vector<256x512xi32>
    %bitcast_convert_type3A_18 = tpu.bitcast %get3A_17 : vector<256x512xi32> -> vector<256x512xi32>
    %shift_left3A_19 = arith.constant 16 : i32
    %shift_left3A_20 = vector.broadcast %shift_left3A_19 : i32 to vector<256x512xi32>
    %shift_left3A_21 = arith.shli %bitcast_convert_type3A_18, %shift_left3A_20 : vector<256x512xi32>
    %bitcast_convert_type3A_22 = tpu.bitcast %shift_left3A_21 : vector<256x512xi32> -> vector<256x512xf32>
    %and3A_23 = arith.constant -65536 : i32
    %and3A_24 = vector.broadcast %and3A_23 : i32 to vector<256x512xi32>
    %and3A_25 = arith.andi %bitcast_convert_type3A_18, %and3A_24 : vector<256x512xi32>
    %bitcast_convert_type3A_26 = tpu.bitcast %and3A_25 : vector<256x512xi32> -> vector<256x512xf32>
    %concatenate3A_27 = tpu.concatenate %bitcast_convert_type3A_22, %bitcast_convert_type3A_26 in 1 : vector<256x512xf32>, vector<256x512xf32> -> vector<256x1024xf32>
    %mul3A_28 = vector.broadcast %get3A_14 : vector<256x1xf32> to vector<256x1024xf32>
    %mul3A_29 = arith.mulf %mul3A_28, %concatenate3A_27 : vector<256x1024xf32>
    %add3A = arith.addf %mul3A_11, %mul3A_29 : vector<256x1024xf32>
    %get3A_30 = arith.constant 0 : index
    %get3A_31 = arith.constant 0 : index
    %get3A_32 = vector.load %arg6[%get3A_30, %get3A_31] : memref<1x1024xf32, #tpu.memory_space<vmem>>, vector<1x1024xf32>
    %logistic3A = arith.negf %get3A_32 : vector<1x1024xf32>
    %logistic3A_33 = math.exp %logistic3A : vector<1x1024xf32>
    %logistic3A_34 = arith.constant 1.000000e+00 : f32
    %logistic3A_35 = vector.broadcast %logistic3A_34 : f32 to vector<1x1024xf32>
    %logistic3A_36 = arith.addf %logistic3A_35, %logistic3A_33 : vector<1x1024xf32>
    %logistic3A_37 = arith.divf %logistic3A_35, %logistic3A_36 : vector<1x1024xf32>
    %sub3A = arith.constant 1.000000e+00 : f32
    %sub3A_38 = vector.broadcast %sub3A : f32 to vector<1x1024xf32>
    %sub3A_39 = arith.subf %sub3A_38, %logistic3A_37 : vector<1x1024xf32>
    %mul3A_40 = vector.broadcast %sub3A_39 : vector<1x1024xf32> to vector<256x1024xf32>
    %mul3A_41 = arith.mulf %add3A, %mul3A_40 : vector<256x1024xf32>
    %get3A_42 = arith.constant 0 : index
    %get3A_43 = arith.constant 0 : index
    %get3A_44 = vector.load %arg5[%get3A_42, %get3A_43] : memref<256x1024xf32, #tpu.memory_space<vmem>>, vector<256x1024xf32>
    %add3A_45 = arith.addf %mul3A_41, %get3A_44 : vector<256x1024xf32>
    %swap3A = arith.constant 0 : index
    %swap3A_46 = arith.constant 0 : index
    %swap3A_47 = vector.load %arg7[%swap3A, %swap3A_46] : memref<256x1024xf32, #tpu.memory_space<vmem>>, vector<256x1024xf32>
    tpu.vector_store %arg7[%swap3A, %swap3A_46], %add3A_45 {strides = array<i32>} : memref<256x1024xf32, #tpu.memory_space<vmem>>, vector<256x1024xf32>,
    return
  }
  func.func @transform_0(%arg0: i32) -> (i32, i32) {
    %c0_i32 = arith.constant 0 : i32
    %c0_i32_0 = arith.constant 0 : i32
    return %arg0, %c0_i32 : i32, i32
  }
  func.func @transform_1(%arg0: i32) -> (i32, i32) {
    %add3A = arith.constant 8 : i32
    %add3A_0 = arith.addi %arg0, %add3A : i32
    %c0_i32 = arith.constant 0 : i32
    %c0_i32_1 = arith.constant 0 : i32
    return %add3A_0, %c0_i32 : i32, i32
  }
  func.func @transform_2(%arg0: i32) -> (i32, i32) {
    %c0_i32 = arith.constant 0 : i32
    %c0_i32_0 = arith.constant 0 : i32
    return %arg0, %c0_i32 : i32, i32
  }
  func.func @transform_3(%arg0: i32) -> (i32, i32) {
    %c0_i32 = arith.constant 0 : i32
    %c0_i32_0 = arith.constant 0 : i32
    return %arg0, %c0_i32 : i32, i32
  }
  func.func @transform_4(%arg0: i32) -> (i32, i32) {
    %c0_i32 = arith.constant 0 : i32
    %c0_i32_0 = arith.constant 0 : i32
    return %arg0, %c0_i32 : i32, i32
  }
  func.func @transform_5(%arg0: i32) -> (i32, i32) {
    %c0_i32 = arith.constant 0 : i32
    %c0_i32_0 = arith.constant 0 : i32
    %c0_i32_1 = arith.constant 0 : i32
    return %c0_i32, %c0_i32_0 : i32, i32
  }
  func.func @transform_6(%arg0: i32) -> (i32, i32) {
    %c0_i32 = arith.constant 0 : i32
    %c0_i32_0 = arith.constant 0 : i32
    return %arg0, %c0_i32 : i32, i32
  }
}

</mosaic_0001>

<sc_bundles>
// kernel: kernel.12.cloned.1.call-start
scs
__scs_entry_jumppad:
0x0: {  	(pc) =	sbr.rel $0x88, $3  }
0x1: {  	(tag) =	ssettag $0x0;
	lr =	simm.s32 $0x1  }
0x2: {  	[smem:$0x3F8B] =	sst lr;
	_ =	strace $0xD0000000  }
0x3: {  	_ = 	snop  }
0x4: {  	_ = 	snop  }
0x5: {  	_ = 	snop  }
0x6: {  	_ = 	snop  }
0x7: {  	_ = 	snop  }
__scs_overlays_trampoline_lowered:
0x8: {  	[smem:$0x3F9A] =	sst s0  }
0x9: {  	[smem:$0x3F9B] =	sst s1  }
0xa: {  	[smem:$0x3F9C] =	sst s2  }
0xb: {  	[smem:$0x3F9D] =	sst s3  }
0xc: {  	[smem:$0x3F9E] =	sst s4  }
0xd: {  	[smem:$0x3F9F] =	sst s5  }
0xe: {  	[smem:$0x3FA0] =	sst s6  }
0xf: {  	[smem:$0x3FA1] =	sst s7  }
0x10: {  	[smem:$0x3FA2] =	sst s8  }
0x11: {  	[smem:$0x3FA3] =	sst s9;
	s0 =	simm.s32 @!p0 $0x0  }
0x12: {  	s1 =	sld [smem:$0x3F89];
	s0 =	simm.s32 @p0 $0x1  }
0x13: {  	[smem:$0x3FA4] =	sst s0;
	s0 =	simm.s32 @!p1 $0x0  }
0x14: {  	s2 =	sld [smem:$0x3F88];
	s0 =	simm.s32 @p1 $0x1  }
0x15: {  	[smem:$0x3FA5] =	sst s0;
	s0 =	simm.s32 @!p2 $0x0  }
0x16: {  	s3 =	sld [smem:$0x3FDB];
	s0 =	simm.s32 @p2 $0x1  }
0x17: {  	s4 =	simm.s32 $0x1BF5;
	[smem:$0x3FA7] =	sst s0  }
0x18: {  	s0 =	sld [smem:$0x3F8A];
	_ =	swait.ge [sflag:s4], $0x0  }
0x19: {  	s7 =	sld [smem:$0x3F8B]  }
0x1a: {  	s8 =	sadd.s32 $0xFFFFE003, lr  }
0x1b: {  	s9 =	sadd.s32 $0xFFFFFEF7, lr;
	s5 =	simm.s32 $0xFFFFFFFF;
	p2 =	slt.u32 s8, $0xFFFFF086  }
0x1c: {  	p1 =	slt.u32 s9, $0xF7A;
	s5 =	simm.s32 @!p2 $0x0  }
0x1d: {  	s5 =	simm.s32 @p1 $0x1;
	p0 =	seq.s32 s7, s2  }
0x1e: {  	s7 =	smul.u32 @!p0 $0xF7A, s2;
	p2 =	seq.s32 @!p0 s5, $0x0  }
0x1f: {  	s9 =	smul.u32 $0xF7A, s1;
	s8 =	simm.s32 @!p0 $0x1BF5;
	p2 =	por !p2, p0  }
0x20: {  	[sflag:s8] =	ssyncset.s32 @!p0 $0xFFFFF086;
	s6 =	sadd.s32 @!p0 s3, s7;
	s7 =	simm.s32 @!p0 $0x108  }
0x21: {  	s3 =	sadd.s32 s3, s9;
	s6 =	sadd.s32 @!p0 $0x88, s6;
	s7 =	simm.s32 @p2 $0x1082  }
0x22: {  	[simem:s7], [sflag:s8] =	dma.local @!p0 [hbm:s6], $0xF7A  }
0x23: {  	s9 =	sor.u32 $0xD0000000, s2;
	s6 =	simm.s32 $0x108;
	_ =	swait.ge @!p0 [sflag:s8], $0x0  }
0x24: {  	s3 =	sadd.s32 $0x88, s3;
	s6 =	simm.s32 @!p1 $0x1082;
	[sflag:s4] =	ssyncset.s32 $0xFFFFF086  }
0x25: {  	[simem:s6], [sflag:s4] =	dma.local [hbm:s3], $0xF7A  }
0x26: {  	[smem:$0x3F8B] =	sst s1;
	(tag) =	ssettag s2;
	_ =	strace s9  }
0x27: {  	s1 =	sld [smem:$0x3F9B]  }
0x28: {  	s2 =	sld [smem:$0x3F9C]  }
0x29: {  	s4 =	sld [smem:$0x3F9E]  }
0x2a: {  	p0 =	seq.s32 s5, $0x0;
	s5 =	sld [smem:$0x3F9F]  }
0x2b: {  	s6 =	sld [smem:$0x3FA0]  }
0x2c: {  	s7 =	sld [smem:$0x3FA1]  }
0x2d: {  	s3 =	simm.s32 $0x108;
	s8 =	sld [smem:$0x3FA2]  }
0x2e: {  	s3 =	simm.s32 @!p0 $0x1082;
	s9 =	sld [smem:$0x3FA3]  }
0x2f: {  	lr =	sadd.s32 s0, s3;
	s0 =	sld [smem:$0x3F9A]  }
0x30: {  	s3 =	sld [smem:$0x3F9D]  }
0x31: {  	[smem:$0x3FA6] =	sst s10  }
0x32: {  	s10 =	sld [smem:$0x3FA4];
	_ =	sdelay $0x3  }
0x33: {  	p0 =	seq.s32 s10, $0x1;
	s10 =	sld [smem:$0x3FA6];
	_ =	sdelay $0x3  }
0x34: {  	[smem:$0x3FA6] =	sst s10  }
0x35: {  	s10 =	sld [smem:$0x3FA5];
	_ =	sdelay $0x3  }
0x36: {  	p1 =	seq.s32 s10, $0x1;
	s10 =	sld [smem:$0x3FA6];
	_ =	sdelay $0x3  }
0x37: {  	[smem:$0x3FA6] =	sst s10  }
0x38: {  	s10 =	sld [smem:$0x3FA7]  }
0x39: {  	_ = 	snop;
	(pc) =	sbr.ind lr, $3  }
0x3a: {  	_ = 	snop  }
0x3b: {  	_ = 	snop  }
0x3c: {  	p2 =	seq.s32 s10, $0x1;
	s10 =	sld [smem:$0x3FA6]  }
0x3d: {  	_ =	shalt  }
0x3e: {  	_ =	shalt  }
0x3f: {  	_ =	shalt  }
0x40: {  	_ =	shalt  }
0x41: {  	_ =	shalt  }
0x42: {  	_ =	shalt  }
0x43: {  	_ =	shalt  }
0x44: {  	_ =	shalt  }
0x45: {  	_ =	shalt  }
0x46: {  	_ =	shalt  }
0x47: {  	_ =	shalt  }
0x48: {  	_ =	shalt  }
0x49: {  	_ =	shalt  }
0x4a: {  	_ =	shalt  }
0x4b: {  	_ =	shalt  }
0x4c: {  	_ =	shalt  }
0x4d: {  	_ =	shalt  }
0x4e: {  	_ =	shalt  }
0x4f: {  	_ =	shalt  }
0x50: {  	_ =	shalt  }
0x51: {  	_ =	shalt  }
0x52: {  	_ =	shalt  }
0x53: {  	_ =	shalt  }
0x54: {  	_ =	shalt  }
0x55: {  	_ =	shalt  }
0x56: {  	_ =	shalt  }
0x57: {  	_ =	shalt  }
0x58: {  	_ =	shalt  }
0x59: {  	_ =	shalt  }
0x5a: {  	_ =	shalt  }
0x5b: {  	_ =	shalt  }
0x5c: {  	_ =	shalt  }
0x5d: {  	_ =	shalt  }
0x5e: {  	_ =	shalt  }
0x5f: {  	_ =	shalt  }
0x60: {  	_ =	shalt  }
0x61: {  	_ =	shalt  }
0x62: {  	_ =	shalt  }
0x63: {  	_ =	shalt  }
0x64: {  	_ =	shalt  }
0x65: {  	_ =	shalt  }
0x66: {  	_ =	shalt  }
0x67: {  	_ =	shalt  }
0x68: {  	_ =	shalt  }
0x69: {  	_ =	shalt  }
0x6a: {  	_ =	shalt  }
0x6b: {  	_ =	shalt  }
0x6c: {  	_ =	shalt  }
0x6d: {  	_ =	shalt  }
0x6e: {  	_ =	shalt  }
0x6f: {  	_ =	shalt  }
0x70: {  	_ =	shalt  }
0x71: {  	_ =	shalt  }
0x72: {  	_ =	shalt  }
0x73: {  	_ =	shalt  }
0x74: {  	_ =	shalt  }
0x75: {  	_ =	shalt  }
0x76: {  	_ =	shalt  }
0x77: {  	_ =	shalt  }
0x78: {  	_ =	shalt  }
0x79: {  	_ =	shalt  }
0x7a: {  	_ =	shalt  }
0x7b: {  	_ =	shalt  }
0x7c: {  	_ =	shalt  }
0x7d: {  	_ =	shalt  }
0x7e: {  	_ =	shalt  }
0x7f: {  	_ =	shalt  }
0x80: {  	_ =	shalt  }
0x81: {  	_ =	shalt  }
0x82: {  	_ =	shalt  }
0x83: {  	_ =	shalt  }
0x84: {  	_ =	shalt  }
0x85: {  	_ =	shalt  }
0x86: {  	_ =	shalt  }
0x87: {  	_ =	shalt  }
.Lfunc_end0:
.L_simem_size_0:
called_computation.1_lowered:
.L_overlay_start_0:
0x88: {  	s2 =	sld [smem:$0x3FD9]  }
0x89: {  	s3 =	sld [smem:$0x3FFE];
	_ =	sdelay $0x1  }
0x8a: {  	s1 =	srdreg.scid  }
0x8b: {  	s0 =	sand.u32 $0x1, s1  }
0x8c: {  	s14 =	sshll.u32 s0, $0xA;
	s2 =	sadd.s32 s3, s2  }
0x8d: {  	s2 =	sadd.s32 s2, s14  }
0x8e: {  	[smem:$0x3FB2] =	sst s2  }
0x8f: {  	_ = 	snop  }
0x90: {  	s2 =	sld [smem:$0x3FD0];
	_ =	sdelay $0x2  }
0x91: {  	s15 =	simm.s32 $0xA;
	s4 =	simm.s32 $0x10  }
0x92: {  	[smem:s4], [sflag:s15] =	dma.local [hbm:s2], $0x1  }
0x93: {  	_ =	swait.eq [sflag:s15], $0x1  }
0x94: {  	[sflag:s15] =	ssyncset.done $0x0  }
0x95: {  	[sflag:s15] =	ssyncadd.s32 $0xFFFFFFFF  }
0x96: {  	s16 =	sld [smem:$0x10];
	(tm) =	ssettm $0x1  }
0x97: {  	s17 =	sld [smem:$0x3FFB];
	_ =	sdelay $0x3  }
0x98: {  	_ =	strace s17  }
0x99: {  	s3 =	sld [smem:$0x3FFC];
	_ =	sdelay $0x3  }
0x9a: {  	_ =	strace s3  }
0x9b: {  	s3 =	sld [smem:$0x3FFD];
	_ =	sdelay $0x3  }
0x9c: {  	_ =	strace s3  }
0x9d: {  	_ =	strace $0x8FFFFFFF  }
0x9e: {  	s18 =	sld [smem:$0x3FDB];
	_ =	sdelay $0x1  }
0x9f: {  	s19 =	simm.s32 $_scs_section_size  }
0xa0: {  	s5 =	simm.s32 $_size__tile_overlayer_lowered;
	s6 =	simm.s32 $_tile_overlayer_lowered  }
0xa1: {  	s22 =	simm.s32 $0x1BFF;
	s21 =	sshll.u32 s6, $0x1;
	s3 =	sadd.s32 s19, s18  }
0xa2: {  	s7 =	simm.s32 $0x0;
	s20 =	sshll.u32 s5, $0x1;
	s5 =	sadd.s32 s21, s3  }
0xa3: {  	[timem:s7], [sflag:s22] =	dma.local [hbm:s5], s20  }
0xa4: {  	_ =	swait.ge [sflag:s22], s20  }
0xa5: {  	s4 =	ssub.s32 $0x0, s20;
	[sflag:s22] =	ssyncset.done $0x0  }
0xa6: {  	[sflag:s22] =	ssyncadd.s32 s4;
	_ =	sdelay $0x1  }
0xa7: {  	s23 =	simm.s32 $0x1B8B  }
0xa8: {  	_ =	swait.ge [sflag:s23], $0x1  }
0xa9: {  	[sflag:s23] =	ssyncset.done $0x0  }
0xaa: {  	s25 =	simm.s32 $0x1B8E;
	s24 =	sld [smem:$0x3FFE];
	[sflag:s23] =	ssyncadd.s32 $0xFFFFFFFF  }
0xab: {  	s26 =	simm.s32 $execute0_lowered;
	[smem:$0x3FD2] =	sst s25  }
0xac: {  	s5 =	sshll.u32 s26, $0x1;
	_ =	strace $0x8000004F;
	[dreg:$0x1] =	wrdreg $0xFFFFFFFF  }
0xad: {  	s28 =	simm.s32 $_size_execute0_lowered;
	s3 =	sadd.s32 s3, s5;
	[dreg:$0x0] =	wrdreg $0x0  }
0xae: {  	s5 =	sshll.u32 s28, $0x1;
	[dreg:$0x2] =	wrdreg s3  }
0xaf: {  	[dreg:$0x3] =	wrdreg s5  }
0xb0: {  	[dreg:$0x4] =	wrdreg $0xC0  }
0xb1: {  	_ =	task [dreg:s7], $0x5FFFF  }
0xb2: {  	[dreg:$0x1] =	wrdreg $0xFFFFFFFF  }
0xb3: {  	[dreg:$0x0] =	wrdreg $0x60  }
0xb4: {  	[dreg:$0x2] =	wrdreg s24  }
0xb5: {  	[dreg:$0x3] =	wrdreg s16  }
0xb6: {  	[dreg:$0x4] =	wrdreg $0x9  }
0xb7: {  	_ =	task.clear_ibuf [dreg:s7], $0x5FFFF;
	_ =	strace $0x9000004F  }
0xb8: {  	s29 =	simm.s32 $0x9;
	_ =	strace $0x80000058  }
0xb9: {  	_ =	swait.ge [sflag:s29], $0x1  }
0xba: {  	[sflag:s29] =	ssyncadd.s32 $0xFFFFFFFF  }
0xbb: {  	_ =	strace $0x90000058  }
0xbc: {  	_ =	sfence  }
0xbd: {  	s30 =	sld [smem:$0x0];
	_ =	sdelay $0x2  }
0xbe: {  	s31 =	sshll.u32 s1, $0xD;
	s1 =	sshrl.u32 s1, $0x2  }
0xbf: {  	s3 =	sand.u32 $0x4000, s31;
	s1 =	sadd.s32 s1, s30  }
0xc0: {  	s0 =	sor.u32 s3, s0;
	s1 =	sshll.u32 s1, $0x11  }
0xc1: {  	s0 =	sor.u32 s1, s0  }
0xc2: {  	s0 =	sadd.s32 $0x8F2B, s0  }
0xc3: {  	[sflag:s0] =	ssyncadd.remote.s32 $0x1  }
0xc4: {  	_ =	sfence.sel $0xFFFF  }
0xc5: {  	[dreg:$0x0] =	wrdreg $0xFFFFFFFF;
	(pc) =	sbr.abs _section_cstart, $3  }
0xc6: {  	[dreg:$0x1] =	wrdreg $0xFFFFFFFF  }
0xc7: {  	_ =	task.clear_ibuf [dreg:s7], $0x2FFFF;
	_ =	strace $0x9FFFFFFF  }
0xc8: {  	(tm) =	ssettm $0x7FFFFFFF  }
0xc9: {  	_ =	shalt  }
tec
execute0_lowered:
.L_overlay_start_1:
0x0: {  	(tag) =	ssettag $0x1  }
0x1: {  	s8 =	rddreg [dreg:$0x0]  }
0x2: {  	s1 =	rddreg [dreg:$0x1]  }
0x3: {  	s0 =	rddreg [dreg:$0x2];
	s2 =	simm.s32 $0x0  }
0x4: {  	s3 =	srdreg.scid;
	s10 =	simm.s32 $0x5;
	s11 =	simm.s32 $0x4  }
0x5: {  	s12 =	simm.s32 $0x0;
	[smem:$0x7FF] =	sst s2;
	s4 =	sadd.s32 $0x3800, s8  }
.Ltmp0:
0x6: {  	s5 =	sand.u32 $0x1, s3;
	s3 =	stileid.u32;
	(pc) =	sbr.rel .LBB2_1-.Ltmp0, $4  }
0x7: {  	_ =	strace $0x80000050;
	s6 =	ssub.s32 $0x2, s5;
	s7 =	sshll.u32 s5, $0x4  }
0x8: {  	v2 =	vlaneseq.u32;
	s5 =	sadd.s32 $0x3600, s8;
	s9 =	sshrl.u32 s6, $0x1;
	s7 =	sor.u32 s3, s7  }
0x9: {  	vm0 =	vmmov $0xffff;
	v1 =	vshrl.u32 v2, $0x3;
	s9 =	ssub.s32 s6, s9;
	s6 =	sshll.u32 s7, $0x1;
	s7 =	sshll.u32 s7, $0x4  }
0xa: {  	v0 =	vand.u32 $0x7, v2;
	v2 =	vor.u32 $0x8, v2;
	s8 =	sadd.s32 $0x3900, s8;
	v1 =	vmul.u32 $0x8, v1;
	s7 =	sadd.s32 s5, s7;
	s9 =	smax.u32 s9, $0x1  }
.LBB2_4:
0xb: {  	s13 =	sand.u32 $0x1, s13  }
0xc: {  	_ =	strace $0x80000056;
	s13 =	sadd.s32 $0x3, s13  }
0xd: {  	_ =	swait.ge [sflag:s13], $0x8000  }
0xe: {  	[sflag:s13] =	ssyncset.done $0x0  }
0xf: {  	s12 =	sadd.s32 $0x1, s12;
	[sflag:s13] =	ssyncadd.s32 $0xFFFF8000  }
0x10: {  	p0 =	sne.s32 s12, s9;
	_ =	strace $0x90000056  }
.Ltmp1:
0x11: {  	_ =	strace $0x80000057;
	(pc) =	sbr.rel @!p0 .LBB2_5-.Ltmp1, $4  }
0x12: {  	_ =	swait.ge [sflag:s11], $0x8000  }
0x13: {  	[sflag:s11] =	ssyncset.done $0x0  }
0x14: {  	[sflag:s11] =	ssyncadd.s32 $0xFFFF8000  }
0x15: {  	_ =	strace $0x90000057  }
.LBB2_1:
0x16: {  	_ =	strace $0x80000051  }
0x17: {  	p0 =	por $0x1, $0x1;
	p2 =	por $0x0, $0x0;
	s14 =	simm.s32 $0x0  }
0x18: {  	s13 =	simm.s32 $0x0;
	s18 =	simm.s32 $0x0;
	s15 =	simm.s32 $0x0  }
0x19: {  	[tilespmem:s2], [sflag:$0x1] =	stream.linear.gather [hbm4b:s7+s2], $0x40, $0x200038;
	[tilespmem:$0x10080] =	vst v63  }
0x1a: {  	s16 =	simm.s32 $0x1;
	s17 =	simm.s32 $0x0;
	_ =	strace $0x90000051  }
.LBB2_2:
0x1b: {  	s19 =	smov.u32 s14;
	s14 =	sadd.s32 $0x1, s14  }
0x1c: {  	p1 =	seq.s32 s14, $0x2  }
0x1d: {  	s14 =	simm.s32 @p1 $0x0  }
0x1e: {  	p1 =	sne.s32 s19, s14  }
0x1f: {  	p1 =	por !p0, !p1  }
0x20: {  	p1 =	por !p1, !p1  }
0x21: {  	s20 =	sadd.s32 @p1 s6, s14  }
0x22: {  	s21 =	sand.u32 @p1 $0x1, s16;
	s20 =	sshll.u32 @p1 s20, $0x3  }
0x23: {  	_ =	strace @p1 $0x80000052;
	s23 =	simm.s32 @p1 $0x0;
	s20 =	sand.u32 @p1 $0x1FFFFFF8, s20  }
0x24: {  	s22 =	sshll.u32 @p1 s21, $0x6;
	s21 =	sadd.s32 @p1 $0x1, s21;
	s20 =	sadd.s32 @p1 s5, s20  }
0x25: {  	[tilespmem:s22], [sflag:s21] =	stream.linear.gather @p1 [hbm4b:s20+s23], $0x40, $0x200038;
	[tilespmem:$0x10080] =	vst v63  }
0x26: {  	s28 =	sand.u32 $0x1, s15;
	_ =	strace @p1 $0x90000052  }
0x27: {  	s20 =	sadd.s32 $0x1, s28;
	_ =	strace $0x80000053  }
0x28: {  	_ =	swait.ge [sflag:s20], $0x40  }
0x29: {  	[sflag:s20] =	ssyncset.done $0x0  }
0x2a: {  	[sflag:s20] =	ssyncadd.s32 $0xFFFFFFC0  }
0x2b: {  	s29 =	sshll.u32 s15, $0x6;
	_ =	strace $0x90000053  }
0x2c: {  	s22 =	sand.u32 $0x40, s29;
	_ =	strace $0x80000054  }
0x2d: {  	v3 =	vld [tilespmem:s22+$0x0];
	_ =	sdelay $0x4  }
0x2e: {  	v4 =	vshll.u32 v3, $0x2  }
0x2f: {  	v3 =	vand.u32 $0x7, v3;
	v4 =	vand.u32 $0xFFFFFFE0, v4  }
0x30: {  	v3 =	vor.u32 v3, v4  }
0x31: {  	v4 =	vperm.xlane v3, v0;
	_ =	sdelay $0x1  }
0x32: {  	v4 =	vadd.s32 v1, v4;
	_ =	sdelay $0x1  }
0x33: {  	s20 =	sand.u32 $0x1, s18;
	v3 =	vperm.xlane v3, v2  }
0x34: {  	s23 =	sshll.u32 s20, $0xF  }
0x35: {  	s21 =	sor.u32 $0x80, s23;
	v3 =	vadd.s32 v1, v3  }
0x36: {  	[tilespmem:s21], [sflag:$0x5] =	stream.indirect_vreg.gather [hbm4b:s4+s2], $0x80, v4, vm0, $0x2000b8;
	[tilespmem:$0x10080] =	vst v63  }
0x37: {  	s24 =	sor.u32 $0x880, s23  }
0x38: {  	[tilespmem:s24], [sflag:$0x5] =	stream.indirect_vreg.gather [hbm4b:s8+s2], $0x80, v4, vm0, $0x2000b8;
	[tilespmem:$0x10080] =	vst v63  }
0x39: {  	s30 =	sor.u32 $0x1080, s23  }
0x3a: {  	[tilespmem:s30], [sflag:$0x5] =	stream.indirect_vreg.gather [hbm4b:s4+s2], $0x80, v3, vm0, $0x2000b8;
	[tilespmem:$0x10080] =	vst v63  }
0x3b: {  	s31 =	sor.u32 $0x1880, s23  }
0x3c: {  	[tilespmem:s31], [sflag:$0x5] =	stream.indirect_vreg.gather [hbm4b:s8+s2], $0x80, v3, vm0, $0x2000b8;
	[tilespmem:$0x10080] =	vst v63  }
0x3d: {  	v3 =	vld [tilespmem:s22+$0x10];
	_ =	sdelay $0x4  }
0x3e: {  	v61 =	vshll.u32 v3, $0x2  }
0x3f: {  	v3 =	vand.u32 $0x7, v3;
	v4 =	vand.u32 $0xFFFFFFE0, v61  }
0x40: {  	v3 =	vor.u32 v3, v4  }
0x41: {  	v4 =	vperm.xlane v3, v0;
	_ =	sdelay $0x1  }
0x42: {  	v4 =	vadd.s32 v1, v4;
	_ =	sdelay $0x1  }
0x43: {  	v3 =	vperm.xlane v3, v2;
	_ =	sdelay $0x1  }
0x44: {  	s25 =	sor.u32 $0x2080, s23;
	v3 =	vadd.s32 v1, v3  }
0x45: {  	[tilespmem:s25], [sflag:$0x5] =	stream.indirect_vreg.gather [hbm4b:s4+s2], $0x80, v4, vm0, $0x2000b8;
	[tilespmem:$0x10080] =	vst v63  }
0x46: {  	s26 =	sor.u32 $0x2880, s23  }
0x47: {  	[tilespmem:s26], [sflag:$0x5] =	stream.indirect_vreg.gather [hbm4b:s8+s2], $0x80, v4, vm0, $0x2000b8;
	[tilespmem:$0x10080] =	vst v63  }
0x48: {  	s28 =	sor.u32 $0x3080, s23  }
0x49: {  	[tilespmem:s28], [sflag:$0x5] =	stream.indirect_vreg.gather [hbm4b:s4+s2], $0x80, v3, vm0, $0x2000b8;
	[tilespmem:$0x10080] =	vst v63  }
0x4a: {  	s29 =	sor.u32 $0x3880, s23  }
0x4b: {  	[tilespmem:s29], [sflag:$0x5] =	stream.indirect_vreg.gather [hbm4b:s8+s2], $0x80, v3, vm0, $0x2000b8;
	[tilespmem:$0x10080] =	vst v63  }
0x4c: {  	v3 =	vld [tilespmem:s22+$0x20];
	_ =	sdelay $0x4  }
0x4d: {  	v62 =	vshll.u32 v3, $0x2  }
0x4e: {  	v3 =	vand.u32 $0x7, v3;
	v4 =	vand.u32 $0xFFFFFFE0, v62  }
0x4f: {  	v3 =	vor.u32 v3, v4  }
0x50: {  	v4 =	vperm.xlane v3, v0;
	_ =	sdelay $0x1  }
0x51: {  	v4 =	vadd.s32 v1, v4;
	_ =	sdelay $0x1  }
0x52: {  	v3 =	vperm.xlane v3, v2;
	_ =	sdelay $0x1  }
0x53: {  	s30 =	sor.u32 $0x4080, s23;
	v3 =	vadd.s32 v1, v3  }
0x54: {  	[tilespmem:s30], [sflag:$0x5] =	stream.indirect_vreg.gather [hbm4b:s4+s2], $0x80, v4, vm0, $0x2000b8;
	[tilespmem:$0x10080] =	vst v63  }
0x55: {  	s31 =	sor.u32 $0x4880, s23  }
0x56: {  	[tilespmem:s31], [sflag:$0x5] =	stream.indirect_vreg.gather [hbm4b:s8+s2], $0x80, v4, vm0, $0x2000b8;
	[tilespmem:$0x10080] =	vst v63  }
0x57: {  	s25 =	sor.u32 $0x5080, s23  }
0x58: {  	[tilespmem:s25], [sflag:$0x5] =	stream.indirect_vreg.gather [hbm4b:s4+s2], $0x80, v3, vm0, $0x2000b8;
	[tilespmem:$0x10080] =	vst v63  }
0x59: {  	s26 =	sor.u32 $0x5880, s23  }
0x5a: {  	[tilespmem:s26], [sflag:$0x5] =	stream.indirect_vreg.gather [hbm4b:s8+s2], $0x80, v3, vm0, $0x2000b8;
	[tilespmem:$0x10080] =	vst v63  }
0x5b: {  	v3 =	vld [tilespmem:s22+$0x30];
	_ =	sdelay $0x4  }
0x5c: {  	v63 =	vshll.u32 v3, $0x2  }
0x5d: {  	v3 =	vand.u32 $0x7, v3;
	v4 =	vand.u32 $0xFFFFFFE0, v63  }
0x5e: {  	v3 =	vor.u32 v3, v4  }
0x5f: {  	v4 =	vperm.xlane v3, v0;
	_ =	sdelay $0x1  }
0x60: {  	v4 =	vadd.s32 v1, v4;
	_ =	sdelay $0x1  }
0x61: {  	v3 =	vperm.xlane v3, v2;
	_ =	sdelay $0x1  }
0x62: {  	s28 =	sor.u32 $0x6080, s23;
	v3 =	vadd.s32 v1, v3  }
0x63: {  	[tilespmem:s28], [sflag:$0x5] =	stream.indirect_vreg.gather [hbm4b:s4+s2], $0x80, v4, vm0, $0x2000b8;
	[tilespmem:$0x10080] =	vst v63  }
0x64: {  	s29 =	sor.u32 $0x6880, s23  }
0x65: {  	[tilespmem:s29], [sflag:$0x5] =	stream.indirect_vreg.gather [hbm4b:s8+s2], $0x80, v4, vm0, $0x2000b8;
	[tilespmem:$0x10080] =	vst v63  }
0x66: {  	p2 =	por !p2, !p2;
	p3 =	seq.s32 s19, s14;
	s30 =	sor.u32 $0x7080, s23  }
0x67: {  	[tilespmem:s30], [sflag:$0x5] =	stream.indirect_vreg.gather [hbm4b:s4+s2], $0x80, v3, vm0, $0x2000b8;
	[tilespmem:$0x10080] =	vst v63  }
0x68: {  	p2 =	por !p2, !p3;
	s31 =	sor.u32 $0x7880, s23  }
0x69: {  	[tilespmem:s31], [sflag:$0x5] =	stream.indirect_vreg.gather [hbm4b:s8+s2], $0x80, v3, vm0, $0x2000b8;
	[tilespmem:$0x10080] =	vst v63  }
0x6a: {  	s19 =	sadd.s32 s6, s19;
	p2 =	por !p2, !p2;
	_ =	swait.ge [sflag:s10], $0x8000  }
0x6b: {  	s19 =	sshll.u32 @!p2 s19, $0xC;
	p0 =	por p2, p0;
	[sflag:s10] =	ssyncset.done $0x0  }
.Ltmp2:
0x6c: {  	s19 =	sand.u32 @!p2 $0x1FFFF000, s19;
	[sflag:s10] =	ssyncadd.s32 $0xFFFF8000;
	(pc) =	sbr.rel @!p0 .LBB2_4-.Ltmp2, $4  }
0x6d: {  	s19 =	sadd.s32 @!p2 s1, s19;
	_ =	strace $0x90000054  }
0x6e: {  	s20 =	sadd.s32 @!p2 $0x3, s20;
	s22 =	simm.s32 @!p2 $0x0;
	_ =	strace @!p2 $0x80000055  }
0x6f: {  	[hbm4b:s19+s22] =	stream.linear.scatter @!p2 [tilespmem:s21], [sflag:s20], $0x8000, $0x200038;
	[tilespmem:$0x10080] =	vst v63  }
0x70: {  	_ =	strace @!p2 $0x90000055  }
.Ltmp3:
0x71: {  	s19 =	simm.s32 $0x1;
	(pc) =	sbr.rel .LBB2_2-.Ltmp3, $4  }
0x72: {  	s20 =	simm.s32 @!p2 $0x1;
	s13 =	sadd.s32 s17, s13;
	s19 =	simm.s32 @!p1 $0x0  }
0x73: {  	s17 =	simm.s32 $0x1;
	s16 =	sadd.s32 s19, s16;
	s19 =	sadd.s32 @!p2 $0x1, s18  }
0x74: {  	p0 =	por $0x0, $0x0;
	s20 =	simm.s32 @p2 $0x0;
	s19 =	smov.u32 @p2 s18  }
0x75: {  	s15 =	sadd.s32 s15, s20;
	p2 =	por $0x1, $0x1;
	s18 =	smov.u32 s19  }
.LBB2_5:
0x76: {  	_ =	sfence.sel $0x180000  }
0x77: {  	[bflag:$0x0] =	sbarrier.arrive $0xFFFF  }
0x78: {  	p0 =	sne.s32 s3, $0x0;
	_ =	strace $0x90000050  }
0x79: {  	s0 =	sadd.s32 @!p0 $0x100000, s0;
	[bflag:$0x2] =	sbarrier.arrive $0xFFFF  }
0x7a: {  	[sflag:s0] =	ssyncadd.tile.s32 @!p0 $0x1;
	_ =	shalt  }
.Lfunc_end2:
_tile_overlayer_lowered:
.L_overlay_start_2:
0x7b: {  	(tag) =	ssettag $0x2  }
0x7c: {  	s0 =	rddreg [dreg:$0x0];
	s2 =	stileid.u32  }
0x7d: {  	s1 =	rddreg [dreg:$0x1];
	p0 =	sne.s32 s2, $0x0  }
0x7e: {  	s3 =	rddreg [dreg:$0x2];
	[bflag:$0x3] =	sbarrier.arrive $0xFFFF;
	s2 =	simm.s32 @!p0 $0x1C01  }
0x7f: {  	[timem:s3], [sflag:s2] =	dma.local @!p0 [hbm:s0], s1  }
0x80: {  	s0 =	simm.s32 @!p0 $0x1  }
0x81: {  	_ =	swait.ge @!p0 [sflag:s0], s1  }
0x82: {  	s1 =	ssub.s32 @!p0 $0x0, s1;
	[sflag:s0] =	ssyncset.done @!p0 $0x0  }
0x83: {  	[sflag:s0] =	ssyncadd.s32 @!p0 s1  }
0x84: {  	[bflag:$0x3] =	sbarrier.arrive $0xFFFF  }
0x85: {  	_ =	shalt  }

// kernel: kernel.9.cloned.1.call-start
scs
__scs_entry_jumppad:
0x0: {  	(pc) =	sbr.rel $0x88, $3  }
0x1: {  	(tag) =	ssettag $0x0;
	lr =	simm.s32 $0x1  }
0x2: {  	[smem:$0x3F8B] =	sst lr;
	_ =	strace $0xD0000000  }
0x3: {  	_ = 	snop  }
0x4: {  	_ = 	snop  }
0x5: {  	_ = 	snop  }
0x6: {  	_ = 	snop  }
0x7: {  	_ = 	snop  }
__scs_overlays_trampoline_lowered:
0x8: {  	[smem:$0x3F9A] =	sst s0  }
0x9: {  	[smem:$0x3F9B] =	sst s1  }
0xa: {  	[smem:$0x3F9C] =	sst s2  }
0xb: {  	[smem:$0x3F9D] =	sst s3  }
0xc: {  	[smem:$0x3F9E] =	sst s4  }
0xd: {  	[smem:$0x3F9F] =	sst s5  }
0xe: {  	[smem:$0x3FA0] =	sst s6  }
0xf: {  	[smem:$0x3FA1] =	sst s7  }
0x10: {  	[smem:$0x3FA2] =	sst s8  }
0x11: {  	[smem:$0x3FA3] =	sst s9;
	s0 =	simm.s32 @!p0 $0x0  }
0x12: {  	s1 =	sld [smem:$0x3F89];
	s0 =	simm.s32 @p0 $0x1  }
0x13: {  	[smem:$0x3FA4] =	sst s0;
	s0 =	simm.s32 @!p1 $0x0  }
0x14: {  	s2 =	sld [smem:$0x3F88];
	s0 =	simm.s32 @p1 $0x1  }
0x15: {  	[smem:$0x3FA5] =	sst s0;
	s0 =	simm.s32 @!p2 $0x0  }
0x16: {  	s3 =	sld [smem:$0x3FDB];
	s0 =	simm.s32 @p2 $0x1  }
0x17: {  	s4 =	simm.s32 $0x1BF5;
	[smem:$0x3FA7] =	sst s0  }
0x18: {  	s0 =	sld [smem:$0x3F8A];
	_ =	swait.ge [sflag:s4], $0x0  }
0x19: {  	s7 =	sld [smem:$0x3F8B]  }
0x1a: {  	s8 =	sadd.s32 $0xFFFFE003, lr  }
0x1b: {  	s9 =	sadd.s32 $0xFFFFFEF7, lr;
	s5 =	simm.s32 $0xFFFFFFFF;
	p2 =	slt.u32 s8, $0xFFFFF086  }
0x1c: {  	p1 =	slt.u32 s9, $0xF7A;
	s5 =	simm.s32 @!p2 $0x0  }
0x1d: {  	s5 =	simm.s32 @p1 $0x1;
	p0 =	seq.s32 s7, s2  }
0x1e: {  	s7 =	smul.u32 @!p0 $0xF7A, s2;
	p2 =	seq.s32 @!p0 s5, $0x0  }
0x1f: {  	s9 =	smul.u32 $0xF7A, s1;
	s8 =	simm.s32 @!p0 $0x1BF5;
	p2 =	por !p2, p0  }
0x20: {  	[sflag:s8] =	ssyncset.s32 @!p0 $0xFFFFF086;
	s6 =	sadd.s32 @!p0 s3, s7;
	s7 =	simm.s32 @!p0 $0x108  }
0x21: {  	s3 =	sadd.s32 s3, s9;
	s6 =	sadd.s32 @!p0 $0x88, s6;
	s7 =	simm.s32 @p2 $0x1082  }
0x22: {  	[simem:s7], [sflag:s8] =	dma.local @!p0 [hbm:s6], $0xF7A  }
0x23: {  	s9 =	sor.u32 $0xD0000000, s2;
	s6 =	simm.s32 $0x108;
	_ =	swait.ge @!p0 [sflag:s8], $0x0  }
0x24: {  	s3 =	sadd.s32 $0x88, s3;
	s6 =	simm.s32 @!p1 $0x1082;
	[sflag:s4] =	ssyncset.s32 $0xFFFFF086  }
0x25: {  	[simem:s6], [sflag:s4] =	dma.local [hbm:s3], $0xF7A  }
0x26: {  	[smem:$0x3F8B] =	sst s1;
	(tag) =	ssettag s2;
	_ =	strace s9  }
0x27: {  	s1 =	sld [smem:$0x3F9B]  }
0x28: {  	s2 =	sld [smem:$0x3F9C]  }
0x29: {  	s4 =	sld [smem:$0x3F9E]  }
0x2a: {  	p0 =	seq.s32 s5, $0x0;
	s5 =	sld [smem:$0x3F9F]  }
0x2b: {  	s6 =	sld [smem:$0x3FA0]  }
0x2c: {  	s7 =	sld [smem:$0x3FA1]  }
0x2d: {  	s3 =	simm.s32 $0x108;
	s8 =	sld [smem:$0x3FA2]  }
0x2e: {  	s3 =	simm.s32 @!p0 $0x1082;
	s9 =	sld [smem:$0x3FA3]  }
0x2f: {  	lr =	sadd.s32 s0, s3;
	s0 =	sld [smem:$0x3F9A]  }
0x30: {  	s3 =	sld [smem:$0x3F9D]  }
0x31: {  	[smem:$0x3FA6] =	sst s10  }
0x32: {  	s10 =	sld [smem:$0x3FA4];
	_ =	sdelay $0x3  }
0x33: {  	p0 =	seq.s32 s10, $0x1;
	s10 =	sld [smem:$0x3FA6];
	_ =	sdelay $0x3  }
0x34: {  	[smem:$0x3FA6] =	sst s10  }
0x35: {  	s10 =	sld [smem:$0x3FA5];
	_ =	sdelay $0x3  }
0x36: {  	p1 =	seq.s32 s10, $0x1;
	s10 =	sld [smem:$0x3FA6];
	_ =	sdelay $0x3  }
0x37: {  	[smem:$0x3FA6] =	sst s10  }
0x38: {  	s10 =	sld [smem:$0x3FA7]  }
0x39: {  	_ = 	snop;
	(pc) =	sbr.ind lr, $3  }
0x3a: {  	_ = 	snop  }
0x3b: {  	_ = 	snop  }
0x3c: {  	p2 =	seq.s32 s10, $0x1;
	s10 =	sld [smem:$0x3FA6]  }
0x3d: {  	_ =	shalt  }
0x3e: {  	_ =	shalt  }
0x3f: {  	_ =	shalt  }
0x40: {  	_ =	shalt  }
0x41: {  	_ =	shalt  }
0x42: {  	_ =	shalt  }
0x43: {  	_ =	shalt  }
0x44: {  	_ =	shalt  }
0x45: {  	_ =	shalt  }
0x46: {  	_ =	shalt  }
0x47: {  	_ =	shalt  }
0x48: {  	_ =	shalt  }
0x49: {  	_ =	shalt  }
0x4a: {  	_ =	shalt  }
0x4b: {  	_ =	shalt  }
0x4c: {  	_ =	shalt  }
0x4d: {  	_ =	shalt  }
0x4e: {  	_ =	shalt  }
0x4f: {  	_ =	shalt  }
0x50: {  	_ =	shalt  }
0x51: {  	_ =	shalt  }
0x52: {  	_ =	shalt  }
0x53: {  	_ =	shalt  }
0x54: {  	_ =	shalt  }
0x55: {  	_ =	shalt  }
0x56: {  	_ =	shalt  }
0x57: {  	_ =	shalt  }
0x58: {  	_ =	shalt  }
0x59: {  	_ =	shalt  }
0x5a: {  	_ =	shalt  }
0x5b: {  	_ =	shalt  }
0x5c: {  	_ =	shalt  }
0x5d: {  	_ =	shalt  }
0x5e: {  	_ =	shalt  }
0x5f: {  	_ =	shalt  }
0x60: {  	_ =	shalt  }
0x61: {  	_ =	shalt  }
0x62: {  	_ =	shalt  }
0x63: {  	_ =	shalt  }
0x64: {  	_ =	shalt  }
0x65: {  	_ =	shalt  }
0x66: {  	_ =	shalt  }
0x67: {  	_ =	shalt  }
0x68: {  	_ =	shalt  }
0x69: {  	_ =	shalt  }
0x6a: {  	_ =	shalt  }
0x6b: {  	_ =	shalt  }
0x6c: {  	_ =	shalt  }
0x6d: {  	_ =	shalt  }
0x6e: {  	_ =	shalt  }
0x6f: {  	_ =	shalt  }
0x70: {  	_ =	shalt  }
0x71: {  	_ =	shalt  }
0x72: {  	_ =	shalt  }
0x73: {  	_ =	shalt  }
0x74: {  	_ =	shalt  }
0x75: {  	_ =	shalt  }
0x76: {  	_ =	shalt  }
0x77: {  	_ =	shalt  }
0x78: {  	_ =	shalt  }
0x79: {  	_ =	shalt  }
0x7a: {  	_ =	shalt  }
0x7b: {  	_ =	shalt  }
0x7c: {  	_ =	shalt  }
0x7d: {  	_ =	shalt  }
0x7e: {  	_ =	shalt  }
0x7f: {  	_ =	shalt  }
0x80: {  	_ =	shalt  }
0x81: {  	_ =	shalt  }
0x82: {  	_ =	shalt  }
0x83: {  	_ =	shalt  }
0x84: {  	_ =	shalt  }
0x85: {  	_ =	shalt  }
0x86: {  	_ =	shalt  }
0x87: {  	_ =	shalt  }
.Lfunc_end0:
.L_simem_size_0:
called_computation_lowered:
.L_overlay_start_0:
0x88: {  	s2 =	sld [smem:$0x3FD9]  }
0x89: {  	s3 =	sld [smem:$0x3FFE];
	_ =	sdelay $0x1  }
0x8a: {  	s1 =	srdreg.scid  }
0x8b: {  	s0 =	sand.u32 $0x1, s1  }
0x8c: {  	s14 =	sshll.u32 s0, $0xA;
	s2 =	sadd.s32 s3, s2  }
0x8d: {  	s2 =	sadd.s32 s2, s14  }
0x8e: {  	[smem:$0x3FB2] =	sst s2  }
0x8f: {  	_ = 	snop  }
0x90: {  	s2 =	sld [smem:$0x3FD0];
	_ =	sdelay $0x2  }
0x91: {  	s15 =	simm.s32 $0xA;
	s4 =	simm.s32 $0x10  }
0x92: {  	[smem:s4], [sflag:s15] =	dma.local [hbm:s2], $0x1  }
0x93: {  	_ =	swait.eq [sflag:s15], $0x1  }
0x94: {  	[sflag:s15] =	ssyncset.done $0x0  }
0x95: {  	[sflag:s15] =	ssyncadd.s32 $0xFFFFFFFF  }
0x96: {  	s16 =	sld [smem:$0x10];
	(tm) =	ssettm $0x1  }
0x97: {  	s17 =	sld [smem:$0x3FFB];
	_ =	sdelay $0x3  }
0x98: {  	_ =	strace s17  }
0x99: {  	s3 =	sld [smem:$0x3FFC];
	_ =	sdelay $0x3  }
0x9a: {  	_ =	strace s3  }
0x9b: {  	s3 =	sld [smem:$0x3FFD];
	_ =	sdelay $0x3  }
0x9c: {  	_ =	strace s3  }
0x9d: {  	_ =	strace $0x8FFFFFFF  }
0x9e: {  	s18 =	sld [smem:$0x3FDB];
	_ =	sdelay $0x1  }
0x9f: {  	s19 =	simm.s32 $_scs_section_size  }
0xa0: {  	s5 =	simm.s32 $_size__tile_overlayer_lowered;
	s6 =	simm.s32 $_tile_overlayer_lowered  }
0xa1: {  	s22 =	simm.s32 $0x1BFF;
	s21 =	sshll.u32 s6, $0x1;
	s3 =	sadd.s32 s19, s18  }
0xa2: {  	s7 =	simm.s32 $0x0;
	s20 =	sshll.u32 s5, $0x1;
	s5 =	sadd.s32 s21, s3  }
0xa3: {  	[timem:s7], [sflag:s22] =	dma.local [hbm:s5], s20  }
0xa4: {  	_ =	swait.ge [sflag:s22], s20  }
0xa5: {  	s4 =	ssub.s32 $0x0, s20;
	[sflag:s22] =	ssyncset.done $0x0  }
0xa6: {  	[sflag:s22] =	ssyncadd.s32 s4;
	_ =	sdelay $0x1  }
0xa7: {  	s23 =	simm.s32 $0x1B8B  }
0xa8: {  	_ =	swait.ge [sflag:s23], $0x1  }
0xa9: {  	[sflag:s23] =	ssyncset.done $0x0  }
0xaa: {  	s25 =	simm.s32 $0x1B8E;
	s24 =	sld [smem:$0x3FFE];
	[sflag:s23] =	ssyncadd.s32 $0xFFFFFFFF  }
0xab: {  	s26 =	simm.s32 $execute0_lowered;
	[smem:$0x3FD2] =	sst s25  }
0xac: {  	s5 =	sshll.u32 s26, $0x1;
	_ =	strace $0x80000046;
	[dreg:$0x1] =	wrdreg $0xFFFFFFFF  }
0xad: {  	s28 =	simm.s32 $_size_execute0_lowered;
	s3 =	sadd.s32 s3, s5;
	[dreg:$0x0] =	wrdreg $0x0  }
0xae: {  	s5 =	sshll.u32 s28, $0x1;
	[dreg:$0x2] =	wrdreg s3  }
0xaf: {  	[dreg:$0x3] =	wrdreg s5  }
0xb0: {  	[dreg:$0x4] =	wrdreg $0xC0  }
0xb1: {  	_ =	task [dreg:s7], $0x5FFFF  }
0xb2: {  	[dreg:$0x1] =	wrdreg $0xFFFFFFFF  }
0xb3: {  	[dreg:$0x0] =	wrdreg $0x60  }
0xb4: {  	[dreg:$0x2] =	wrdreg s16  }
0xb5: {  	[dreg:$0x3] =	wrdreg s24  }
0xb6: {  	[dreg:$0x4] =	wrdreg $0x9  }
0xb7: {  	_ =	task.clear_ibuf [dreg:s7], $0x5FFFF;
	_ =	strace $0x90000046  }
0xb8: {  	s29 =	simm.s32 $0x9;
	_ =	strace $0x8000004E  }
0xb9: {  	_ =	swait.ge [sflag:s29], $0x1  }
0xba: {  	[sflag:s29] =	ssyncadd.s32 $0xFFFFFFFF  }
0xbb: {  	_ =	strace $0x9000004E  }
0xbc: {  	_ =	sfence  }
0xbd: {  	s30 =	sld [smem:$0x0];
	_ =	sdelay $0x2  }
0xbe: {  	s31 =	sshll.u32 s1, $0xD;
	s1 =	sshrl.u32 s1, $0x2  }
0xbf: {  	s3 =	sand.u32 $0x4000, s31;
	s1 =	sadd.s32 s1, s30  }
0xc0: {  	s0 =	sor.u32 s3, s0;
	s1 =	sshll.u32 s1, $0x11  }
0xc1: {  	s0 =	sor.u32 s1, s0  }
0xc2: {  	s0 =	sadd.s32 $0x8F2B, s0  }
0xc3: {  	[sflag:s0] =	ssyncadd.remote.s32 $0x1  }
0xc4: {  	_ =	sfence.sel $0xFFFF  }
0xc5: {  	[dreg:$0x0] =	wrdreg $0xFFFFFFFF;
	(pc) =	sbr.abs _section_cstart, $3  }
0xc6: {  	[dreg:$0x1] =	wrdreg $0xFFFFFFFF  }
0xc7: {  	_ =	task.clear_ibuf [dreg:s7], $0x2FFFF;
	_ =	strace $0x9FFFFFFF  }
0xc8: {  	(tm) =	ssettm $0x7FFFFFFF  }
0xc9: {  	_ =	shalt  }
tec
execute0_lowered:
.L_overlay_start_1:
0x0: {  	(tag) =	ssettag $0x1  }
0x1: {  	s1 =	rddreg [dreg:$0x0]  }
0x2: {  	s9 =	rddreg [dreg:$0x1]  }
0x3: {  	s0 =	rddreg [dreg:$0x2]  }
0x4: {  	s2 =	simm.s32 $0x0;
	s3 =	srdreg.scid;
	s11 =	simm.s32 $0x10000  }
0x5: {  	s12 =	simm.s32 $0x5;
	s13 =	simm.s32 $0x0;
	[smem:$0x7FF] =	sst s2  }
0x6: {  	s6 =	sand.u32 $0x1, s3;
	s4 =	sadd.s32 $0x3600, s9;
	s5 =	sadd.s32 $0x3800, s9  }
.Ltmp0:
0x7: {  	s3 =	stileid.u32;
	s9 =	sadd.s32 $0x3900, s9;
	(pc) =	sbr.rel .LBB2_1-.Ltmp0, $4  }
0x8: {  	_ =	strace $0x80000047;
	s7 =	ssub.s32 $0x2, s6;
	s6 =	sshll.u32 s6, $0x4  }
0x9: {  	v2 =	vlaneseq.u32;
	s31 =	sshll.u32 s3, $0xD;
	s8 =	sshrl.u32 s7, $0x1;
	s30 =	sor.u32 s3, s6  }
0xa: {  	vm0 =	vmmov $0xffff;
	v1 =	vshrl.u32 v2, $0x3;
	s10 =	ssub.s32 s7, s8;
	s6 =	sshll.u32 s30, $0x1;
	s8 =	sshll.u32 s30, $0x4  }
0xb: {  	v0 =	vand.u32 $0x7, v2;
	v2 =	vor.u32 $0x8, v2;
	v1 =	vmul.u32 $0x8, v1;
	s7 =	sadd.s32 s1, s31;
	s8 =	sadd.s32 s4, s8;
	s10 =	smax.u32 s10, $0x1  }
.LBB2_7:
0xc: {  	s13 =	sadd.s32 $0x1, s13  }
0xd: {  	p0 =	sne.s32 s13, s10  }
.Ltmp1:
0xe: {  	_ = 	snop;
	(pc) =	sbr.rel @!p0 .LBB2_8-.Ltmp1, $1  }
0xf: {  	_ =	sdelay $0x3  }
.LBB2_1:
0x10: {  	_ =	strace $0x80000048  }
.Ltmp2:
0x11: {  	p0 =	por $0x0, $0x0;
	p2 =	por $0x1, $0x1;
	(pc) =	sbr.rel .LBB2_2-.Ltmp2, $4  }
0x12: {  	[tilespmem:s2], [sflag:$0x1] =	stream.linear.gather [hbm4b:s7+s2], $0x8000, $0x200038;
	[tilespmem:$0x10080] =	vst v63  }
0x13: {  	s19 =	simm.s32 $0x0;
	s14 =	simm.s32 $0x0;
	s15 =	simm.s32 $0x1  }
0x14: {  	[tilespmem:s11], [sflag:$0x3] =	stream.linear.gather [hbm4b:s8+s2], $0x40, $0x200038;
	[tilespmem:$0x10080] =	vst v63  }
0x15: {  	s16 =	simm.s32 $0x0;
	s17 =	simm.s32 $0x1;
	_ =	strace $0x90000048  }
.LBB2_3:
0x16: {  	s20 =	sand.u32 $0x1, s15;
	s21 =	sshll.u32 s21, $0x3  }
0x17: {  	_ =	strace $0x8000004A;
	s22 =	sshll.u32 s20, $0x6;
	s21 =	sand.u32 $0x1FFFFFF8, s21  }
0x18: {  	s20 =	sadd.s32 $0x3, s20;
	s22 =	sor.u32 $0x10000, s22;
	s21 =	sadd.s32 s4, s21  }
0x19: {  	[tilespmem:s22], [sflag:s20] =	stream.linear.gather [hbm4b:s21+s2], $0x40, $0x200038;
	[tilespmem:$0x10080] =	vst v63  }
0x1a: {  	s15 =	sadd.s32 $0x1, s15;
	_ =	strace $0x9000004A  }
.LBB2_5:
0x1b: {  	s20 =	sand.u32 $0x1, s16  }
0x1c: {  	_ =	strace $0x8000004B;
	s20 =	sadd.s32 $0x1, s20  }
0x1d: {  	_ =	swait.ge [sflag:s20], $0x8000  }
0x1e: {  	[sflag:s20] =	ssyncset.done $0x0  }
0x1f: {  	[sflag:s20] =	ssyncadd.s32 $0xFFFF8000  }
0x20: {  	_ =	strace $0x9000004B  }
.LBB2_6:
0x21: {  	s20 =	sand.u32 $0x1, s14  }
0x22: {  	_ =	strace $0x8000004C;
	s20 =	sadd.s32 $0x3, s20  }
0x23: {  	_ =	swait.ge [sflag:s20], $0x40  }
0x24: {  	[sflag:s20] =	ssyncset.done $0x0  }
0x25: {  	[sflag:s20] =	ssyncadd.s32 $0xFFFFFFC0  }
0x26: {  	s25 =	sshll.u32 s14, $0x6;
	_ =	strace $0x9000004C  }
0x27: {  	s20 =	sand.u32 $0x40, s25;
	_ =	strace $0x8000004D  }
0x28: {  	v3 =	vld [tilespmem:s20+$0x10000];
	_ =	sdelay $0x4  }
0x29: {  	v4 =	vshll.u32 v3, $0x2  }
0x2a: {  	v3 =	vand.u32 $0x7, v3;
	v4 =	vand.u32 $0xFFFFFFE0, v4  }
0x2b: {  	v3 =	vor.u32 v3, v4  }
0x2c: {  	v4 =	vperm.xlane v3, v0;
	_ =	sdelay $0x1  }
0x2d: {  	v4 =	vadd.s32 v1, v4;
	_ =	sdelay $0x1  }
0x2e: {  	v3 =	vperm.xlane v3, v2  }
0x2f: {  	s21 =	sshll.u32 s16, $0xF  }
0x30: {  	s21 =	sand.u32 $0x8000, s21;
	v3 =	vadd.s32 v1, v3  }
0x31: {  	[hbm4b:s5+s2] =	stream.indirect_vreg.scatter [tilespmem:s21], [sflag:$0x5], $0x80, v4, vm0, $0x2000b8;
	[tilespmem:$0x10080] =	vst v63  }
0x32: {  	s22 =	sor.u32 $0x800, s21  }
0x33: {  	[hbm4b:s9+s2] =	stream.indirect_vreg.scatter [tilespmem:s22], [sflag:$0x5], $0x80, v4, vm0, $0x2000b8;
	[tilespmem:$0x10080] =	vst v63  }
0x34: {  	s26 =	sor.u32 $0x1000, s21  }
0x35: {  	[hbm4b:s5+s2] =	stream.indirect_vreg.scatter [tilespmem:s26], [sflag:$0x5], $0x80, v3, vm0, $0x2000b8;
	[tilespmem:$0x10080] =	vst v63  }
0x36: {  	s28 =	sor.u32 $0x1800, s21  }
0x37: {  	[hbm4b:s9+s2] =	stream.indirect_vreg.scatter [tilespmem:s28], [sflag:$0x5], $0x80, v3, vm0, $0x2000b8;
	[tilespmem:$0x10080] =	vst v63  }
0x38: {  	v3 =	vld [tilespmem:s20+$0x10010];
	_ =	sdelay $0x4  }
0x39: {  	v61 =	vshll.u32 v3, $0x2  }
0x3a: {  	v3 =	vand.u32 $0x7, v3;
	v4 =	vand.u32 $0xFFFFFFE0, v61  }
0x3b: {  	v3 =	vor.u32 v3, v4  }
0x3c: {  	v4 =	vperm.xlane v3, v0;
	_ =	sdelay $0x1  }
0x3d: {  	v4 =	vadd.s32 v1, v4;
	_ =	sdelay $0x1  }
0x3e: {  	v3 =	vperm.xlane v3, v2;
	_ =	sdelay $0x1  }
0x3f: {  	s29 =	sor.u32 $0x2000, s21;
	v3 =	vadd.s32 v1, v3  }
0x40: {  	[hbm4b:s5+s2] =	stream.indirect_vreg.scatter [tilespmem:s29], [sflag:$0x5], $0x80, v4, vm0, $0x2000b8;
	[tilespmem:$0x10080] =	vst v63  }
0x41: {  	s30 =	sor.u32 $0x2800, s21  }
0x42: {  	[hbm4b:s9+s2] =	stream.indirect_vreg.scatter [tilespmem:s30], [sflag:$0x5], $0x80, v4, vm0, $0x2000b8;
	[tilespmem:$0x10080] =	vst v63  }
0x43: {  	s31 =	sor.u32 $0x3000, s21  }
0x44: {  	[hbm4b:s5+s2] =	stream.indirect_vreg.scatter [tilespmem:s31], [sflag:$0x5], $0x80, v3, vm0, $0x2000b8;
	[tilespmem:$0x10080] =	vst v63  }
0x45: {  	s23 =	sor.u32 $0x3800, s21  }
0x46: {  	[hbm4b:s9+s2] =	stream.indirect_vreg.scatter [tilespmem:s23], [sflag:$0x5], $0x80, v3, vm0, $0x2000b8;
	[tilespmem:$0x10080] =	vst v63  }
0x47: {  	v3 =	vld [tilespmem:s20+$0x10020];
	_ =	sdelay $0x4  }
0x48: {  	v62 =	vshll.u32 v3, $0x2  }
0x49: {  	v3 =	vand.u32 $0x7, v3;
	v4 =	vand.u32 $0xFFFFFFE0, v62  }
0x4a: {  	v3 =	vor.u32 v3, v4  }
0x4b: {  	v4 =	vperm.xlane v3, v0;
	_ =	sdelay $0x1  }
0x4c: {  	v4 =	vadd.s32 v1, v4;
	_ =	sdelay $0x1  }
0x4d: {  	v3 =	vperm.xlane v3, v2;
	_ =	sdelay $0x1  }
0x4e: {  	s24 =	sor.u32 $0x4000, s21;
	v3 =	vadd.s32 v1, v3  }
0x4f: {  	[hbm4b:s5+s2] =	stream.indirect_vreg.scatter [tilespmem:s24], [sflag:$0x5], $0x80, v4, vm0, $0x2000b8;
	[tilespmem:$0x10080] =	vst v63  }
0x50: {  	s25 =	sor.u32 $0x4800, s21  }
0x51: {  	[hbm4b:s9+s2] =	stream.indirect_vreg.scatter [tilespmem:s25], [sflag:$0x5], $0x80, v4, vm0, $0x2000b8;
	[tilespmem:$0x10080] =	vst v63  }
0x52: {  	s26 =	sor.u32 $0x5000, s21  }
0x53: {  	[hbm4b:s5+s2] =	stream.indirect_vreg.scatter [tilespmem:s26], [sflag:$0x5], $0x80, v3, vm0, $0x2000b8;
	[tilespmem:$0x10080] =	vst v63  }
0x54: {  	s28 =	sor.u32 $0x5800, s21  }
0x55: {  	[hbm4b:s9+s2] =	stream.indirect_vreg.scatter [tilespmem:s28], [sflag:$0x5], $0x80, v3, vm0, $0x2000b8;
	[tilespmem:$0x10080] =	vst v63  }
0x56: {  	v3 =	vld [tilespmem:s20+$0x10030];
	_ =	sdelay $0x4  }
0x57: {  	v63 =	vshll.u32 v3, $0x2  }
0x58: {  	v3 =	vand.u32 $0x7, v3;
	v4 =	vand.u32 $0xFFFFFFE0, v63  }
0x59: {  	v3 =	vor.u32 v3, v4  }
0x5a: {  	v4 =	vperm.xlane v3, v0;
	_ =	sdelay $0x1  }
0x5b: {  	v4 =	vadd.s32 v1, v4;
	_ =	sdelay $0x1  }
0x5c: {  	v3 =	vperm.xlane v3, v2;
	_ =	sdelay $0x1  }
0x5d: {  	s29 =	sor.u32 $0x6000, s21;
	v3 =	vadd.s32 v1, v3  }
0x5e: {  	[hbm4b:s5+s2] =	stream.indirect_vreg.scatter [tilespmem:s29], [sflag:$0x5], $0x80, v4, vm0, $0x2000b8;
	[tilespmem:$0x10080] =	vst v63  }
0x5f: {  	p6 =	sne.s32 s19, s18;
	s30 =	sor.u32 $0x6800, s21  }
0x60: {  	[hbm4b:s9+s2] =	stream.indirect_vreg.scatter [tilespmem:s30], [sflag:$0x5], $0x80, v4, vm0, $0x2000b8;
	[tilespmem:$0x10080] =	vst v63  }
0x61: {  	p2 =	por p0, p2;
	s19 =	simm.s32 $0x1;
	s31 =	sor.u32 $0x7000, s21  }
0x62: {  	[hbm4b:s5+s2] =	stream.indirect_vreg.scatter [tilespmem:s31], [sflag:$0x5], $0x80, v3, vm0, $0x2000b8;
	[tilespmem:$0x10080] =	vst v63  }
0x63: {  	s19 =	simm.s32 @!p2 $0x0;
	p0 =	por p0, p6;
	s21 =	sor.u32 $0x7800, s21  }
0x64: {  	[hbm4b:s9+s2] =	stream.indirect_vreg.scatter [tilespmem:s21], [sflag:$0x5], $0x80, v3, vm0, $0x2000b8;
	[tilespmem:$0x10080] =	vst v63  }
.Ltmp3:
0x65: {  	p2 =	por $0x0, $0x0;
	s20 =	simm.s32 $0x1;
	(pc) =	sbr.rel @!p1 .LBB2_7-.Ltmp3, $4  }
0x66: {  	s16 =	sadd.s32 s19, s16;
	s20 =	simm.s32 @!p3 $0x0;
	_ =	swait.ge [sflag:s12], $0x8000  }
0x67: {  	s17 =	sadd.s32 s20, s17;
	s20 =	simm.s32 $0x1;
	[sflag:s12] =	ssyncset.done $0x0  }
0x68: {  	s19 =	smov.u32 s18;
	s20 =	simm.s32 @!p0 $0x0;
	[sflag:s12] =	ssyncadd.s32 $0xFFFF8000  }
0x69: {  	p0 =	por $0x1, $0x1;
	s14 =	sadd.s32 s20, s14;
	_ =	strace $0x9000004D  }
.LBB2_2:
0x6a: {  	s18 =	sadd.s32 $0x1, s19  }
0x6b: {  	p1 =	seq.s32 s18, $0x2  }
0x6c: {  	s18 =	simm.s32 @p1 $0x0  }
0x6d: {  	s20 =	sadd.s32 s6, s19;
	s21 =	sadd.s32 s6, s18  }
0x6e: {  	s20 =	sand.u32 $0x1F, s20;
	s22 =	sand.u32 $0x1F, s21  }
0x6f: {  	p1 =	por p2, p2;
	p2 =	sne.s32 s20, s22  }
0x70: {  	p5 =	seq.s32 s19, s18;
	p4 =	por !p1, !p1;
	p3 =	por !p1, !p2  }
0x71: {  	p5 =	por p4, p5;
	p3 =	por !p3, !p3  }
.Ltmp4:
0x72: {  	s23 =	sand.u32 @p3 $0x1, s17;
	(pc) =	sbr.rel @!p5 .LBB2_3-.Ltmp4, $4  }
0x73: {  	_ =	strace @p3 $0x80000049;
	s22 =	sshll.u32 @p3 s22, $0xC;
	s25 =	simm.s32 @p3 $0x0  }
0x74: {  	s24 =	sshll.u32 @p3 s23, $0xF;
	s23 =	sadd.s32 @p3 $0x1, s23;
	s22 =	sadd.s32 @p3 s1, s22  }
0x75: {  	[tilespmem:s24], [sflag:s23] =	stream.linear.gather @p3 [hbm4b:s22+s25], $0x8000, $0x200038;
	[tilespmem:$0x10080] =	vst v63  }
0x76: {  	_ =	strace @p3 $0x90000049  }
0x77: {  	s21 =	sadd.s32 $0x1F, s19;
	p5 =	seq.s32 s19, $0x0  }
0x78: {  	s21 =	simm.s32 @p5 $0x1  }
0x79: {  	s21 =	sadd.s32 s6, s21  }
0x7a: {  	s21 =	sand.u32 $0x1F, s21  }
0x7b: {  	p6 =	seq.s32 s20, s21  }
0x7c: {  	p4 =	por !p4, !p6  }
0x7d: {  	p4 =	por !p4, !p4  }
.Ltmp5:
0x7e: {  	_ = 	snop;
	(pc) =	sbr.rel @p4 .LBB2_6-.Ltmp5, $4  }
.Ltmp6:
0x7f: {  	_ = 	snop;
	(pc) =	sbr.rel @!p4 .LBB2_5-.Ltmp6, $4  }
0x80: {  	_ = 	snop  }
0x81: {  	_ = 	snop  }
0x82: {  	_ = 	snop  }
0x83: {  	_ = 	snop  }
.LBB2_8:
0x84: {  	_ =	sfence.sel $0x180000  }
0x85: {  	[bflag:$0x0] =	sbarrier.arrive $0xFFFF  }
0x86: {  	p0 =	sne.s32 s3, $0x0;
	_ =	strace $0x90000047  }
0x87: {  	s0 =	sadd.s32 @!p0 $0x100000, s0;
	[bflag:$0x2] =	sbarrier.arrive $0xFFFF  }
0x88: {  	[sflag:s0] =	ssyncadd.tile.s32 @!p0 $0x1;
	_ =	shalt  }
.Lfunc_end2:
_tile_overlayer_lowered:
.L_overlay_start_2:
0x89: {  	(tag) =	ssettag $0x2  }
0x8a: {  	s0 =	rddreg [dreg:$0x0];
	s2 =	stileid.u32  }
0x8b: {  	s1 =	rddreg [dreg:$0x1];
	p0 =	sne.s32 s2, $0x0  }
0x8c: {  	s3 =	rddreg [dreg:$0x2];
	[bflag:$0x3] =	sbarrier.arrive $0xFFFF;
	s2 =	simm.s32 @!p0 $0x1C01  }
0x8d: {  	[timem:s3], [sflag:s2] =	dma.local @!p0 [hbm:s0], s1  }
0x8e: {  	s0 =	simm.s32 @!p0 $0x1  }
0x8f: {  	_ =	swait.ge @!p0 [sflag:s0], s1  }
0x90: {  	s1 =	ssub.s32 @!p0 $0x0, s1;
	[sflag:s0] =	ssyncset.done @!p0 $0x0  }
0x91: {  	[sflag:s0] =	ssyncadd.s32 @!p0 s1  }
0x92: {  	[bflag:$0x3] =	sbarrier.arrive $0xFFFF  }
0x93: {  	_ =	shalt  }

</sc_bundles>
